<compile_context>
chip_gen: v7x
topology: tpu7x:2x2x1
jax: 0.10.2.dev20260603
libtpu: 0.0.44.dev20260713+nightly
codegen_flags: <defaults>
</compile_context>

<pallas_src>
import functools

import jax
import jax.numpy as jnp
from jax import lax
from jax.experimental import pallas as pl
from jax.experimental.pallas import tpu as pltpu
from jax.experimental.pallas import tpu_sc as plsc

_B, _S, _D = 4, 4096, 1024
_NC, _NS = 2, 16
_NW = _NC * _NS
_ROWS = _S // _NW
_SIZES = (48, 40, 40)
_SRC = (0, 48, 88)
_DST = (0, 48, 0)

_mesh = plsc.VectorSubcoreMesh(core_axis_name="c", subcore_axis_name="s")


@functools.partial(
    pl.kernel,
    mesh=_mesh,
    out_type=jax.ShapeDtypeStruct((_B * _S, _D), jnp.float32),
    scratch_types=[
        pltpu.VMEM((88, _D), jnp.float32),
        pltpu.SemaphoreType.DMA((len(_SIZES),)),
        pltpu.SemaphoreType.DMA((len(_SIZES),)),
    ],
)
def _bcast_rows(table_hbm, out_hbm, buf, in_sems, out_sems):
    wid = lax.axis_index("s") * _NC + lax.axis_index("c")
    base = wid * _ROWS

    def start_read(i):
        return pltpu.async_copy(
            table_hbm.at[pl.ds(base + _SRC[i], _SIZES[i])],
            buf.at[pl.ds(_DST[i], _SIZES[i])],
            in_sems.at[i],
        )

    def fire_writes(i):
        return [
            pltpu.async_copy(
                buf.at[pl.ds(_DST[i], _SIZES[i])],
                out_hbm.at[pl.ds(b * _S + base + _SRC[i], _SIZES[i])],
                out_sems.at[i],
            )
            for b in range(_B)
        ]

    reads = [start_read(0), start_read(1)]
    reads[0].wait()
    writes0 = fire_writes(0)
    reads[1].wait()
    writes1 = fire_writes(1)
    for cp in writes0:
        cp.wait()
    start_read(2).wait()
    writes2 = fire_writes(2)
    for cp in writes1 + writes2:
        cp.wait()


def kernel(x, table):
    del x
    out = _bcast_rows(table)
    return out.reshape(_B, _S, _D)

# --- scband reference (transcript-rebuilt; emitter-appended) ---
"""Pipeline reference for scband-positional-embedding-10642928959714 (READ-ONLY COPY).

The authoritative reference and input builder live on the scoring server;
editing this copy changes nothing except your own understanding.
"""

import jax, jax.numpy as jnp
import numpy as np

MAX_SEQ_LENGTH = 8192
DIM_MODEL = 1024


def setup_inputs(seed: int = 0) -> dict:
    key = jax.random.key(seed)
    k1, k2 = jax.random.split(key)
    x = jax.random.randint(k1, (4, 4096), 0, 8192, dtype=jnp.int64 if jax.config.jax_enable_x64 else jnp.int32)
    table = jax.random.normal(k2, (MAX_SEQ_LENGTH, DIM_MODEL), dtype=jnp.float32)
    return {"x": x, "table": table}


def reference(x, table):
    batch_size, seq_len = x.shape
    positions = jnp.arange(0, seq_len)
    positions = jnp.broadcast_to(positions[None, :], (batch_size, seq_len))
    out = jnp.take(table, positions, axis=0)
    return out

if __name__ == "__main__":
    import jax
    _d = setup_inputs()
    print(jax.jit(kernel)(*tuple(_d.values())))

</pallas_src>

<mosaic_0001>
#map = affine_map<(d0, d1) -> (0, 0)>
module attributes {stable_mosaic.version = 14 : i64} {
  func.func @_bcast_rows(%arg0: i32, %arg1: i32, %arg2: memref<8192x1024xf32, #tpu.memory_space<hbm>>, %arg3: memref<16384x1024xf32, #tpu.memory_space<hbm>>, %arg4: memref<88x1024xf32, #tpu.memory_space<vmem>>, %arg5: memref<3x!tpu.dma_semaphore, #tpu.memory_space<semaphore_mem>>, %arg6: memref<3x!tpu.dma_semaphore, #tpu.memory_space<semaphore_mem>>) attributes {dimension_semantics = [#tpu.dimension_semantics<core_parallel>, #tpu.dimension_semantics<subcore_parallel>], iteration_bounds = array<i64: 2, 16>, scalar_prefetch = 0 : i64, scratch_operands = 3 : i64, tpu.core_type = #tpu.core_type<sc_vector_subcore>, window_params = [{transform_indices = #map}, {transform_indices = #map}]} {
    %mul3A = arith.constant 2 : i32
    %mul3A_0 = arith.muli %arg1, %mul3A : i32
    %add3A = arith.addi %mul3A_0, %arg0 : i32
    %mul3A_1 = arith.constant 128 : i32
    %mul3A_2 = arith.muli %add3A, %mul3A_1 : i32
    %add3A_3 = arith.constant 0 : i32
    %add3A_4 = arith.addi %mul3A_2, %add3A_3 : i32
    %dma_start3A = arith.constant 0 : i32
    %dma_start3A_5 = arith.constant 0 : i32
    %dma_start3A_6 = arith.constant 0 : i32
    %dma_start3A_7 = tpu.memref_slice %arg4[%dma_start3A_5, %dma_start3A_6] : memref<88x1024xf32, #tpu.memory_space<vmem>> -> memref<48x1024xf32, #tpu.memory_space<vmem>>
    %dma_start3A_8 = arith.constant 0 : i32
    %dma_start3A_9 = tpu.memref_slice %arg2[%add3A_4, %dma_start3A_8] : memref<8192x1024xf32, #tpu.memory_space<hbm>> -> memref<48x1024xf32, #tpu.memory_space<hbm>>
    %dma_start3A_10 = tpu.memref_slice %arg5[%dma_start3A] : memref<3x!tpu.dma_semaphore, #tpu.memory_space<semaphore_mem>> -> memref<1x!tpu.dma_semaphore, #tpu.memory_space<semaphore_mem>>
    %dma_start3A_11 = tpu.memref_squeeze %dma_start3A_10 : memref<1x!tpu.dma_semaphore, #tpu.memory_space<semaphore_mem>> -> memref<!tpu.dma_semaphore, #tpu.memory_space<semaphore_mem>>
    %dma_start3A_12 = arith.constant 0 : i32
    %dma_start3A_13 = arith.constant 0 : i32
    %dma_start3A_14 = tpu.memref_slice %arg4[%dma_start3A_12, %dma_start3A_13] : memref<88x1024xf32, #tpu.memory_space<vmem>> -> memref<48x1024xf32, #tpu.memory_space<vmem>>
    %dma_start3A_15 = arith.constant 0 : i32
    %dma_start3A_16 = tpu.memref_slice %arg2[%add3A_4, %dma_start3A_15] : memref<8192x1024xf32, #tpu.memory_space<hbm>> -> memref<48x1024xf32, #tpu.memory_space<hbm>>
    tpu.enqueue_dma source(%dma_start3A_16 : memref<48x1024xf32, #tpu.memory_space<hbm>>) target(%dma_start3A_14 : memref<48x1024xf32, #tpu.memory_space<vmem>>) target_semaphore(%dma_start3A_11 : memref<!tpu.dma_semaphore, #tpu.memory_space<semaphore_mem>>)
    %add3A_17 = arith.constant 48 : i32
    %add3A_18 = arith.addi %mul3A_2, %add3A_17 : i32
    %dma_start3A_19 = arith.constant 1 : i32
    %dma_start3A_20 = arith.constant 48 : i32
    %dma_start3A_21 = arith.constant 0 : i32
    %dma_start3A_22 = tpu.memref_slice %arg4[%dma_start3A_20, %dma_start3A_21] : memref<88x1024xf32, #tpu.memory_space<vmem>> -> memref<40x1024xf32, #tpu.memory_space<vmem>>
    %dma_start3A_23 = arith.constant 0 : i32
    %dma_start3A_24 = tpu.memref_slice %arg2[%add3A_18, %dma_start3A_23] : memref<8192x1024xf32, #tpu.memory_space<hbm>> -> memref<40x1024xf32, #tpu.memory_space<hbm>>
    %dma_start3A_25 = tpu.memref_slice %arg5[%dma_start3A_19] : memref<3x!tpu.dma_semaphore, #tpu.memory_space<semaphore_mem>> -> memref<1x!tpu.dma_semaphore, #tpu.memory_space<semaphore_mem>>
    %dma_start3A_26 = tpu.memref_squeeze %dma_start3A_25 : memref<1x!tpu.dma_semaphore, #tpu.memory_space<semaphore_mem>> -> memref<!tpu.dma_semaphore, #tpu.memory_space<semaphore_mem>>
    %dma_start3A_27 = arith.constant 48 : i32
    %dma_start3A_28 = arith.constant 0 : i32
    %dma_start3A_29 = tpu.memref_slice %arg4[%dma_start3A_27, %dma_start3A_28] : memref<88x1024xf32, #tpu.memory_space<vmem>> -> memref<40x1024xf32, #tpu.memory_space<vmem>>
    %dma_start3A_30 = arith.constant 0 : i32
    %dma_start3A_31 = tpu.memref_slice %arg2[%add3A_18, %dma_start3A_30] : memref<8192x1024xf32, #tpu.memory_space<hbm>> -> memref<40x1024xf32, #tpu.memory_space<hbm>>
    tpu.enqueue_dma source(%dma_start3A_31 : memref<40x1024xf32, #tpu.memory_space<hbm>>) target(%dma_start3A_29 : memref<40x1024xf32, #tpu.memory_space<vmem>>) target_semaphore(%dma_start3A_26 : memref<!tpu.dma_semaphore, #tpu.memory_space<semaphore_mem>>)
    %dma_wait3A = arith.constant 0 : i32
    %dma_wait3A_32 = arith.constant 0 : i32
    %dma_wait3A_33 = arith.constant 0 : i32
    %dma_wait3A_34 = tpu.memref_slice %arg4[%dma_wait3A_32, %dma_wait3A_33] : memref<88x1024xf32, #tpu.memory_space<vmem>> -> memref<48x1024xf32, #tpu.memory_space<vmem>>
    %dma_wait3A_35 = arith.constant 0 : i32
    %dma_wait3A_36 = tpu.memref_slice %arg2[%add3A_4, %dma_wait3A_35] : memref<8192x1024xf32, #tpu.memory_space<hbm>> -> memref<48x1024xf32, #tpu.memory_space<hbm>>
    %dma_wait3A_37 = tpu.memref_slice %arg5[%dma_wait3A] : memref<3x!tpu.dma_semaphore, #tpu.memory_space<semaphore_mem>> -> memref<1x!tpu.dma_semaphore, #tpu.memory_space<semaphore_mem>>
    %dma_wait3A_38 = tpu.memref_squeeze %dma_wait3A_37 : memref<1x!tpu.dma_semaphore, #tpu.memory_space<semaphore_mem>> -> memref<!tpu.dma_semaphore, #tpu.memory_space<semaphore_mem>>
    %dma_wait3A_39 = arith.constant 0 : i32
    %dma_wait3A_40 = arith.constant 0 : i32
    %dma_wait3A_41 = tpu.memref_slice %arg4[%dma_wait3A_39, %dma_wait3A_40] : memref<88x1024xf32, #tpu.memory_space<vmem>> -> memref<48x1024xf32, #tpu.memory_space<vmem>>
    %dma_wait3A_42 = arith.constant 0 : i32
    %dma_wait3A_43 = tpu.memref_slice %arg2[%add3A_4, %dma_wait3A_42] : memref<8192x1024xf32, #tpu.memory_space<hbm>> -> memref<48x1024xf32, #tpu.memory_space<hbm>>
    tpu.wait_dma2 semaphore(%dma_wait3A_38 : memref<!tpu.dma_semaphore, #tpu.memory_space<semaphore_mem>>) src(%dma_wait3A_43 : memref<48x1024xf32, #tpu.memory_space<hbm>>) dst(%dma_wait3A_41 : memref<48x1024xf32, #tpu.memory_space<vmem>>)
    %add3A_44 = arith.constant 0 : i32
    %add3A_45 = arith.addi %add3A_44, %mul3A_2 : i32
    %add3A_46 = arith.constant 0 : i32
    %add3A_47 = arith.addi %add3A_45, %add3A_46 : i32
    %dma_start3A_48 = arith.constant 0 : i32
    %dma_start3A_49 = arith.constant 0 : i32
    %dma_start3A_50 = arith.constant 0 : i32
    %dma_start3A_51 = tpu.memref_slice %arg4[%dma_start3A_49, %dma_start3A_50] : memref<88x1024xf32, #tpu.memory_space<vmem>> -> memref<48x1024xf32, #tpu.memory_space<vmem>>
    %dma_start3A_52 = arith.constant 0 : i32
    %dma_start3A_53 = tpu.memref_slice %arg3[%add3A_47, %dma_start3A_52] : memref<16384x1024xf32, #tpu.memory_space<hbm>> -> memref<48x1024xf32, #tpu.memory_space<hbm>>
    %dma_start3A_54 = tpu.memref_slice %arg6[%dma_start3A_48] : memref<3x!tpu.dma_semaphore, #tpu.memory_space<semaphore_mem>> -> memref<1x!tpu.dma_semaphore, #tpu.memory_space<semaphore_mem>>
    %dma_start3A_55 = tpu.memref_squeeze %dma_start3A_54 : memref<1x!tpu.dma_semaphore, #tpu.memory_space<semaphore_mem>> -> memref<!tpu.dma_semaphore, #tpu.memory_space<semaphore_mem>>
    %dma_start3A_56 = arith.constant 0 : i32
    %dma_start3A_57 = tpu.memref_slice %arg3[%add3A_47, %dma_start3A_56] : memref<16384x1024xf32, #tpu.memory_space<hbm>> -> memref<48x1024xf32, #tpu.memory_space<hbm>>
    %dma_start3A_58 = arith.constant 0 : i32
    %dma_start3A_59 = arith.constant 0 : i32
    %dma_start3A_60 = tpu.memref_slice %arg4[%dma_start3A_58, %dma_start3A_59] : memref<88x1024xf32, #tpu.memory_space<vmem>> -> memref<48x1024xf32, #tpu.memory_space<vmem>>
    tpu.enqueue_dma source(%dma_start3A_60 : memref<48x1024xf32, #tpu.memory_space<vmem>>) target(%dma_start3A_57 : memref<48x1024xf32, #tpu.memory_space<hbm>>) target_semaphore(%dma_start3A_55 : memref<!tpu.dma_semaphore, #tpu.memory_space<semaphore_mem>>)
    %add3A_61 = arith.constant 4096 : i32
    %add3A_62 = arith.addi %add3A_61, %mul3A_2 : i32
    %add3A_63 = arith.constant 0 : i32
    %add3A_64 = arith.addi %add3A_62, %add3A_63 : i32
    %dma_start3A_65 = arith.constant 0 : i32
    %dma_start3A_66 = arith.constant 0 : i32
    %dma_start3A_67 = arith.constant 0 : i32
    %dma_start3A_68 = tpu.memref_slice %arg4[%dma_start3A_66, %dma_start3A_67] : memref<88x1024xf32, #tpu.memory_space<vmem>> -> memref<48x1024xf32, #tpu.memory_space<vmem>>
    %dma_start3A_69 = arith.constant 0 : i32
    %dma_start3A_70 = tpu.memref_slice %arg3[%add3A_64, %dma_start3A_69] : memref<16384x1024xf32, #tpu.memory_space<hbm>> -> memref<48x1024xf32, #tpu.memory_space<hbm>>
    %dma_start3A_71 = tpu.memref_slice %arg6[%dma_start3A_65] : memref<3x!tpu.dma_semaphore, #tpu.memory_space<semaphore_mem>> -> memref<1x!tpu.dma_semaphore, #tpu.memory_space<semaphore_mem>>
    %dma_start3A_72 = tpu.memref_squeeze %dma_start3A_71 : memref<1x!tpu.dma_semaphore, #tpu.memory_space<semaphore_mem>> -> memref<!tpu.dma_semaphore, #tpu.memory_space<semaphore_mem>>
    %dma_start3A_73 = arith.constant 0 : i32
    %dma_start3A_74 = tpu.memref_slice %arg3[%add3A_64, %dma_start3A_73] : memref<16384x1024xf32, #tpu.memory_space<hbm>> -> memref<48x1024xf32, #tpu.memory_space<hbm>>
    %dma_start3A_75 = arith.constant 0 : i32
    %dma_start3A_76 = arith.constant 0 : i32
    %dma_start3A_77 = tpu.memref_slice %arg4[%dma_start3A_75, %dma_start3A_76] : memref<88x1024xf32, #tpu.memory_space<vmem>> -> memref<48x1024xf32, #tpu.memory_space<vmem>>
    tpu.enqueue_dma source(%dma_start3A_77 : memref<48x1024xf32, #tpu.memory_space<vmem>>) target(%dma_start3A_74 : memref<48x1024xf32, #tpu.memory_space<hbm>>) target_semaphore(%dma_start3A_72 : memref<!tpu.dma_semaphore, #tpu.memory_space<semaphore_mem>>)
    %add3A_78 = arith.constant 8192 : i32
    %add3A_79 = arith.addi %add3A_78, %mul3A_2 : i32
    %add3A_80 = arith.constant 0 : i32
    %add3A_81 = arith.addi %add3A_79, %add3A_80 : i32
    %dma_start3A_82 = arith.constant 0 : i32
    %dma_start3A_83 = arith.constant 0 : i32
    %dma_start3A_84 = arith.constant 0 : i32
    %dma_start3A_85 = tpu.memref_slice %arg4[%dma_start3A_83, %dma_start3A_84] : memref<88x1024xf32, #tpu.memory_space<vmem>> -> memref<48x1024xf32, #tpu.memory_space<vmem>>
    %dma_start3A_86 = arith.constant 0 : i32
    %dma_start3A_87 = tpu.memref_slice %arg3[%add3A_81, %dma_start3A_86] : memref<16384x1024xf32, #tpu.memory_space<hbm>> -> memref<48x1024xf32, #tpu.memory_space<hbm>>
    %dma_start3A_88 = tpu.memref_slice %arg6[%dma_start3A_82] : memref<3x!tpu.dma_semaphore, #tpu.memory_space<semaphore_mem>> -> memref<1x!tpu.dma_semaphore, #tpu.memory_space<semaphore_mem>>
    %dma_start3A_89 = tpu.memref_squeeze %dma_start3A_88 : memref<1x!tpu.dma_semaphore, #tpu.memory_space<semaphore_mem>> -> memref<!tpu.dma_semaphore, #tpu.memory_space<semaphore_mem>>
    %dma_start3A_90 = arith.constant 0 : i32
    %dma_start3A_91 = tpu.memref_slice %arg3[%add3A_81, %dma_start3A_90] : memref<16384x1024xf32, #tpu.memory_space<hbm>> -> memref<48x1024xf32, #tpu.memory_space<hbm>>
    %dma_start3A_92 = arith.constant 0 : i32
    %dma_start3A_93 = arith.constant 0 : i32
    %dma_start3A_94 = tpu.memref_slice %arg4[%dma_start3A_92, %dma_start3A_93] : memref<88x1024xf32, #tpu.memory_space<vmem>> -> memref<48x1024xf32, #tpu.memory_space<vmem>>
    tpu.enqueue_dma source(%dma_start3A_94 : memref<48x1024xf32, #tpu.memory_space<vmem>>) target(%dma_start3A_91 : memref<48x1024xf32, #tpu.memory_space<hbm>>) target_semaphore(%dma_start3A_89 : memref<!tpu.dma_semaphore, #tpu.memory_space<semaphore_mem>>)
    %add3A_95 = arith.constant 12288 : i32
    %add3A_96 = arith.addi %add3A_95, %mul3A_2 : i32
    %add3A_97 = arith.constant 0 : i32
    %add3A_98 = arith.addi %add3A_96, %add3A_97 : i32
    %dma_start3A_99 = arith.constant 0 : i32
    %dma_start3A_100 = arith.constant 0 : i32
    %dma_start3A_101 = arith.constant 0 : i32
    %dma_start3A_102 = tpu.memref_slice %arg4[%dma_start3A_100, %dma_start3A_101] : memref<88x1024xf32, #tpu.memory_space<vmem>> -> memref<48x1024xf32, #tpu.memory_space<vmem>>
    %dma_start3A_103 = arith.constant 0 : i32
    %dma_start3A_104 = tpu.memref_slice %arg3[%add3A_98, %dma_start3A_103] : memref<16384x1024xf32, #tpu.memory_space<hbm>> -> memref<48x1024xf32, #tpu.memory_space<hbm>>
    %dma_start3A_105 = tpu.memref_slice %arg6[%dma_start3A_99] : memref<3x!tpu.dma_semaphore, #tpu.memory_space<semaphore_mem>> -> memref<1x!tpu.dma_semaphore, #tpu.memory_space<semaphore_mem>>
    %dma_start3A_106 = tpu.memref_squeeze %dma_start3A_105 : memref<1x!tpu.dma_semaphore, #tpu.memory_space<semaphore_mem>> -> memref<!tpu.dma_semaphore, #tpu.memory_space<semaphore_mem>>
    %dma_start3A_107 = arith.constant 0 : i32
    %dma_start3A_108 = tpu.memref_slice %arg3[%add3A_98, %dma_start3A_107] : memref<16384x1024xf32, #tpu.memory_space<hbm>> -> memref<48x1024xf32, #tpu.memory_space<hbm>>
    %dma_start3A_109 = arith.constant 0 : i32
    %dma_start3A_110 = arith.constant 0 : i32
    %dma_start3A_111 = tpu.memref_slice %arg4[%dma_start3A_109, %dma_start3A_110] : memref<88x1024xf32, #tpu.memory_space<vmem>> -> memref<48x1024xf32, #tpu.memory_space<vmem>>
    tpu.enqueue_dma source(%dma_start3A_111 : memref<48x1024xf32, #tpu.memory_space<vmem>>) target(%dma_start3A_108 : memref<48x1024xf32, #tpu.memory_space<hbm>>) target_semaphore(%dma_start3A_106 : memref<!tpu.dma_semaphore, #tpu.memory_space<semaphore_mem>>)
    %dma_wait3A_112 = arith.constant 1 : i32
    %dma_wait3A_113 = arith.constant 48 : i32
    %dma_wait3A_114 = arith.constant 0 : i32
    %dma_wait3A_115 = tpu.memref_slice %arg4[%dma_wait3A_113, %dma_wait3A_114] : memref<88x1024xf32, #tpu.memory_space<vmem>> -> memref<40x1024xf32, #tpu.memory_space<vmem>>
    %dma_wait3A_116 = arith.constant 0 : i32
    %dma_wait3A_117 = tpu.memref_slice %arg2[%add3A_18, %dma_wait3A_116] : memref<8192x1024xf32, #tpu.memory_space<hbm>> -> memref<40x1024xf32, #tpu.memory_space<hbm>>
    %dma_wait3A_118 = tpu.memref_slice %arg5[%dma_wait3A_112] : memref<3x!tpu.dma_semaphore, #tpu.memory_space<semaphore_mem>> -> memref<1x!tpu.dma_semaphore, #tpu.memory_space<semaphore_mem>>
    %dma_wait3A_119 = tpu.memref_squeeze %dma_wait3A_118 : memref<1x!tpu.dma_semaphore, #tpu.memory_space<semaphore_mem>> -> memref<!tpu.dma_semaphore, #tpu.memory_space<semaphore_mem>>
    %dma_wait3A_120 = arith.constant 48 : i32
    %dma_wait3A_121 = arith.constant 0 : i32
    %dma_wait3A_122 = tpu.memref_slice %arg4[%dma_wait3A_120, %dma_wait3A_121] : memref<88x1024xf32, #tpu.memory_space<vmem>> -> memref<40x1024xf32, #tpu.memory_space<vmem>>
    %dma_wait3A_123 = arith.constant 0 : i32
    %dma_wait3A_124 = tpu.memref_slice %arg2[%add3A_18, %dma_wait3A_123] : memref<8192x1024xf32, #tpu.memory_space<hbm>> -> memref<40x1024xf32, #tpu.memory_space<hbm>>
    tpu.wait_dma2 semaphore(%dma_wait3A_119 : memref<!tpu.dma_semaphore, #tpu.memory_space<semaphore_mem>>) src(%dma_wait3A_124 : memref<40x1024xf32, #tpu.memory_space<hbm>>) dst(%dma_wait3A_122 : memref<40x1024xf32, #tpu.memory_space<vmem>>)
    %add3A_125 = arith.constant 0 : i32
    %add3A_126 = arith.addi %add3A_125, %mul3A_2 : i32
    %add3A_127 = arith.constant 48 : i32
    %add3A_128 = arith.addi %add3A_126, %add3A_127 : i32
    %dma_start3A_129 = arith.constant 1 : i32
    %dma_start3A_130 = arith.constant 48 : i32
    %dma_start3A_131 = arith.constant 0 : i32
    %dma_start3A_132 = tpu.memref_slice %arg4[%dma_start3A_130, %dma_start3A_131] : memref<88x1024xf32, #tpu.memory_space<vmem>> -> memref<40x1024xf32, #tpu.memory_space<vmem>>
    %dma_start3A_133 = arith.constant 0 : i32
    %dma_start3A_134 = tpu.memref_slice %arg3[%add3A_128, %dma_start3A_133] : memref<16384x1024xf32, #tpu.memory_space<hbm>> -> memref<40x1024xf32, #tpu.memory_space<hbm>>
    %dma_start3A_135 = tpu.memref_slice %arg6[%dma_start3A_129] : memref<3x!tpu.dma_semaphore, #tpu.memory_space<semaphore_mem>> -> memref<1x!tpu.dma_semaphore, #tpu.memory_space<semaphore_mem>>
    %dma_start3A_136 = tpu.memref_squeeze %dma_start3A_135 : memref<1x!tpu.dma_semaphore, #tpu.memory_space<semaphore_mem>> -> memref<!tpu.dma_semaphore, #tpu.memory_space<semaphore_mem>>
    %dma_start3A_137 = arith.constant 0 : i32
    %dma_start3A_138 = tpu.memref_slice %arg3[%add3A_128, %dma_start3A_137] : memref<16384x1024xf32, #tpu.memory_space<hbm>> -> memref<40x1024xf32, #tpu.memory_space<hbm>>
    %dma_start3A_139 = arith.constant 48 : i32
    %dma_start3A_140 = arith.constant 0 : i32
    %dma_start3A_141 = tpu.memref_slice %arg4[%dma_start3A_139, %dma_start3A_140] : memref<88x1024xf32, #tpu.memory_space<vmem>> -> memref<40x1024xf32, #tpu.memory_space<vmem>>
    tpu.enqueue_dma source(%dma_start3A_141 : memref<40x1024xf32, #tpu.memory_space<vmem>>) target(%dma_start3A_138 : memref<40x1024xf32, #tpu.memory_space<hbm>>) target_semaphore(%dma_start3A_136 : memref<!tpu.dma_semaphore, #tpu.memory_space<semaphore_mem>>)
    %add3A_142 = arith.constant 4096 : i32
    %add3A_143 = arith.addi %add3A_142, %mul3A_2 : i32
    %add3A_144 = arith.constant 48 : i32
    %add3A_145 = arith.addi %add3A_143, %add3A_144 : i32
    %dma_start3A_146 = arith.constant 1 : i32
    %dma_start3A_147 = arith.constant 48 : i32
    %dma_start3A_148 = arith.constant 0 : i32
    %dma_start3A_149 = tpu.memref_slice %arg4[%dma_start3A_147, %dma_start3A_148] : memref<88x1024xf32, #tpu.memory_space<vmem>> -> memref<40x1024xf32, #tpu.memory_space<vmem>>
    %dma_start3A_150 = arith.constant 0 : i32
    %dma_start3A_151 = tpu.memref_slice %arg3[%add3A_145, %dma_start3A_150] : memref<16384x1024xf32, #tpu.memory_space<hbm>> -> memref<40x1024xf32, #tpu.memory_space<hbm>>
    %dma_start3A_152 = tpu.memref_slice %arg6[%dma_start3A_146] : memref<3x!tpu.dma_semaphore, #tpu.memory_space<semaphore_mem>> -> memref<1x!tpu.dma_semaphore, #tpu.memory_space<semaphore_mem>>
    %dma_start3A_153 = tpu.memref_squeeze %dma_start3A_152 : memref<1x!tpu.dma_semaphore, #tpu.memory_space<semaphore_mem>> -> memref<!tpu.dma_semaphore, #tpu.memory_space<semaphore_mem>>
    %dma_start3A_154 = arith.constant 0 : i32
    %dma_start3A_155 = tpu.memref_slice %arg3[%add3A_145, %dma_start3A_154] : memref<16384x1024xf32, #tpu.memory_space<hbm>> -> memref<40x1024xf32, #tpu.memory_space<hbm>>
    %dma_start3A_156 = arith.constant 48 : i32
    %dma_start3A_157 = arith.constant 0 : i32
    %dma_start3A_158 = tpu.memref_slice %arg4[%dma_start3A_156, %dma_start3A_157] : memref<88x1024xf32, #tpu.memory_space<vmem>> -> memref<40x1024xf32, #tpu.memory_space<vmem>>
    tpu.enqueue_dma source(%dma_start3A_158 : memref<40x1024xf32, #tpu.memory_space<vmem>>) target(%dma_start3A_155 : memref<40x1024xf32, #tpu.memory_space<hbm>>) target_semaphore(%dma_start3A_153 : memref<!tpu.dma_semaphore, #tpu.memory_space<semaphore_mem>>)
    %add3A_159 = arith.constant 8192 : i32
    %add3A_160 = arith.addi %add3A_159, %mul3A_2 : i32
    %add3A_161 = arith.constant 48 : i32
    %add3A_162 = arith.addi %add3A_160, %add3A_161 : i32
    %dma_start3A_163 = arith.constant 1 : i32
    %dma_start3A_164 = arith.constant 48 : i32
    %dma_start3A_165 = arith.constant 0 : i32
    %dma_start3A_166 = tpu.memref_slice %arg4[%dma_start3A_164, %dma_start3A_165] : memref<88x1024xf32, #tpu.memory_space<vmem>> -> memref<40x1024xf32, #tpu.memory_space<vmem>>
    %dma_start3A_167 = arith.constant 0 : i32
    %dma_start3A_168 = tpu.memref_slice %arg3[%add3A_162, %dma_start3A_167] : memref<16384x1024xf32, #tpu.memory_space<hbm>> -> memref<40x1024xf32, #tpu.memory_space<hbm>>
    %dma_start3A_169 = tpu.memref_slice %arg6[%dma_start3A_163] : memref<3x!tpu.dma_semaphore, #tpu.memory_space<semaphore_mem>> -> memref<1x!tpu.dma_semaphore, #tpu.memory_space<semaphore_mem>>
    %dma_start3A_170 = tpu.memref_squeeze %dma_start3A_169 : memref<1x!tpu.dma_semaphore, #tpu.memory_space<semaphore_mem>> -> memref<!tpu.dma_semaphore, #tpu.memory_space<semaphore_mem>>
    %dma_start3A_171 = arith.constant 0 : i32
    %dma_start3A_172 = tpu.memref_slice %arg3[%add3A_162, %dma_start3A_171] : memref<16384x1024xf32, #tpu.memory_space<hbm>> -> memref<40x1024xf32, #tpu.memory_space<hbm>>
    %dma_start3A_173 = arith.constant 48 : i32
    %dma_start3A_174 = arith.constant 0 : i32
    %dma_start3A_175 = tpu.memref_slice %arg4[%dma_start3A_173, %dma_start3A_174] : memref<88x1024xf32, #tpu.memory_space<vmem>> -> memref<40x1024xf32, #tpu.memory_space<vmem>>
    tpu.enqueue_dma source(%dma_start3A_175 : memref<40x1024xf32, #tpu.memory_space<vmem>>) target(%dma_start3A_172 : memref<40x1024xf32, #tpu.memory_space<hbm>>) target_semaphore(%dma_start3A_170 : memref<!tpu.dma_semaphore, #tpu.memory_space<semaphore_mem>>)
    %add3A_176 = arith.constant 12288 : i32
    %add3A_177 = arith.addi %add3A_176, %mul3A_2 : i32
    %add3A_178 = arith.constant 48 : i32
    %add3A_179 = arith.addi %add3A_177, %add3A_178 : i32
    %dma_start3A_180 = arith.constant 1 : i32
    %dma_start3A_181 = arith.constant 48 : i32
    %dma_start3A_182 = arith.constant 0 : i32
    %dma_start3A_183 = tpu.memref_slice %arg4[%dma_start3A_181, %dma_start3A_182] : memref<88x1024xf32, #tpu.memory_space<vmem>> -> memref<40x1024xf32, #tpu.memory_space<vmem>>
    %dma_start3A_184 = arith.constant 0 : i32
    %dma_start3A_185 = tpu.memref_slice %arg3[%add3A_179, %dma_start3A_184] : memref<16384x1024xf32, #tpu.memory_space<hbm>> -> memref<40x1024xf32, #tpu.memory_space<hbm>>
    %dma_start3A_186 = tpu.memref_slice %arg6[%dma_start3A_180] : memref<3x!tpu.dma_semaphore, #tpu.memory_space<semaphore_mem>> -> memref<1x!tpu.dma_semaphore, #tpu.memory_space<semaphore_mem>>
    %dma_start3A_187 = tpu.memref_squeeze %dma_start3A_186 : memref<1x!tpu.dma_semaphore, #tpu.memory_space<semaphore_mem>> -> memref<!tpu.dma_semaphore, #tpu.memory_space<semaphore_mem>>
    %dma_start3A_188 = arith.constant 0 : i32
    %dma_start3A_189 = tpu.memref_slice %arg3[%add3A_179, %dma_start3A_188] : memref<16384x1024xf32, #tpu.memory_space<hbm>> -> memref<40x1024xf32, #tpu.memory_space<hbm>>
    %dma_start3A_190 = arith.constant 48 : i32
    %dma_start3A_191 = arith.constant 0 : i32
    %dma_start3A_192 = tpu.memref_slice %arg4[%dma_start3A_190, %dma_start3A_191] : memref<88x1024xf32, #tpu.memory_space<vmem>> -> memref<40x1024xf32, #tpu.memory_space<vmem>>
    tpu.enqueue_dma source(%dma_start3A_192 : memref<40x1024xf32, #tpu.memory_space<vmem>>) target(%dma_start3A_189 : memref<40x1024xf32, #tpu.memory_space<hbm>>) target_semaphore(%dma_start3A_187 : memref<!tpu.dma_semaphore, #tpu.memory_space<semaphore_mem>>)
    %dma_wait3A_193 = arith.constant 0 : i32
    %dma_wait3A_194 = arith.constant 0 : i32
    %dma_wait3A_195 = arith.constant 0 : i32
    %dma_wait3A_196 = tpu.memref_slice %arg4[%dma_wait3A_194, %dma_wait3A_195] : memref<88x1024xf32, #tpu.memory_space<vmem>> -> memref<48x1024xf32, #tpu.memory_space<vmem>>
    %dma_wait3A_197 = arith.constant 0 : i32
    %dma_wait3A_198 = tpu.memref_slice %arg3[%add3A_47, %dma_wait3A_197] : memref<16384x1024xf32, #tpu.memory_space<hbm>> -> memref<48x1024xf32, #tpu.memory_space<hbm>>
    %dma_wait3A_199 = tpu.memref_slice %arg6[%dma_wait3A_193] : memref<3x!tpu.dma_semaphore, #tpu.memory_space<semaphore_mem>> -> memref<1x!tpu.dma_semaphore, #tpu.memory_space<semaphore_mem>>
    %dma_wait3A_200 = tpu.memref_squeeze %dma_wait3A_199 : memref<1x!tpu.dma_semaphore, #tpu.memory_space<semaphore_mem>> -> memref<!tpu.dma_semaphore, #tpu.memory_space<semaphore_mem>>
    %dma_wait3A_201 = arith.constant 0 : i32
    %dma_wait3A_202 = tpu.memref_slice %arg3[%add3A_47, %dma_wait3A_201] : memref<16384x1024xf32, #tpu.memory_space<hbm>> -> memref<48x1024xf32, #tpu.memory_space<hbm>>
    %dma_wait3A_203 = arith.constant 0 : i32
    %dma_wait3A_204 = arith.constant 0 : i32
    %dma_wait3A_205 = tpu.memref_slice %arg4[%dma_wait3A_203, %dma_wait3A_204] : memref<88x1024xf32, #tpu.memory_space<vmem>> -> memref<48x1024xf32, #tpu.memory_space<vmem>>
    tpu.wait_dma2 semaphore(%dma_wait3A_200 : memref<!tpu.dma_semaphore, #tpu.memory_space<semaphore_mem>>) src(%dma_wait3A_205 : memref<48x1024xf32, #tpu.memory_space<vmem>>) dst(%dma_wait3A_202 : memref<48x1024xf32, #tpu.memory_space<hbm>>)
    %dma_wait3A_206 = arith.constant 0 : i32
    %dma_wait3A_207 = arith.constant 0 : i32
    %dma_wait3A_208 = arith.constant 0 : i32
    %dma_wait3A_209 = tpu.memref_slice %arg4[%dma_wait3A_207, %dma_wait3A_208] : memref<88x1024xf32, #tpu.memory_space<vmem>> -> memref<48x1024xf32, #tpu.memory_space<vmem>>
    %dma_wait3A_210 = arith.constant 0 : i32
    %dma_wait3A_211 = tpu.memref_slice %arg3[%add3A_64, %dma_wait3A_210] : memref<16384x1024xf32, #tpu.memory_space<hbm>> -> memref<48x1024xf32, #tpu.memory_space<hbm>>
    %dma_wait3A_212 = tpu.memref_slice %arg6[%dma_wait3A_206] : memref<3x!tpu.dma_semaphore, #tpu.memory_space<semaphore_mem>> -> memref<1x!tpu.dma_semaphore, #tpu.memory_space<semaphore_mem>>
    %dma_wait3A_213 = tpu.memref_squeeze %dma_wait3A_212 : memref<1x!tpu.dma_semaphore, #tpu.memory_space<semaphore_mem>> -> memref<!tpu.dma_semaphore, #tpu.memory_space<semaphore_mem>>
    %dma_wait3A_214 = arith.constant 0 : i32
    %dma_wait3A_215 = tpu.memref_slice %arg3[%add3A_64, %dma_wait3A_214] : memref<16384x1024xf32, #tpu.memory_space<hbm>> -> memref<48x1024xf32, #tpu.memory_space<hbm>>
    %dma_wait3A_216 = arith.constant 0 : i32
    %dma_wait3A_217 = arith.constant 0 : i32
    %dma_wait3A_218 = tpu.memref_slice %arg4[%dma_wait3A_216, %dma_wait3A_217] : memref<88x1024xf32, #tpu.memory_space<vmem>> -> memref<48x1024xf32, #tpu.memory_space<vmem>>
    tpu.wait_dma2 semaphore(%dma_wait3A_213 : memref<!tpu.dma_semaphore, #tpu.memory_space<semaphore_mem>>) src(%dma_wait3A_218 : memref<48x1024xf32, #tpu.memory_space<vmem>>) dst(%dma_wait3A_215 : memref<48x1024xf32, #tpu.memory_space<hbm>>)
    %dma_wait3A_219 = arith.constant 0 : i32
    %dma_wait3A_220 = arith.constant 0 : i32
    %dma_wait3A_221 = arith.constant 0 : i32
    %dma_wait3A_222 = tpu.memref_slice %arg4[%dma_wait3A_220, %dma_wait3A_221] : memref<88x1024xf32, #tpu.memory_space<vmem>> -> memref<48x1024xf32, #tpu.memory_space<vmem>>
    %dma_wait3A_223 = arith.constant 0 : i32
    %dma_wait3A_224 = tpu.memref_slice %arg3[%add3A_81, %dma_wait3A_223] : memref<16384x1024xf32, #tpu.memory_space<hbm>> -> memref<48x1024xf32, #tpu.memory_space<hbm>>
    %dma_wait3A_225 = tpu.memref_slice %arg6[%dma_wait3A_219] : memref<3x!tpu.dma_semaphore, #tpu.memory_space<semaphore_mem>> -> memref<1x!tpu.dma_semaphore, #tpu.memory_space<semaphore_mem>>
    %dma_wait3A_226 = tpu.memref_squeeze %dma_wait3A_225 : memref<1x!tpu.dma_semaphore, #tpu.memory_space<semaphore_mem>> -> memref<!tpu.dma_semaphore, #tpu.memory_space<semaphore_mem>>
    %dma_wait3A_227 = arith.constant 0 : i32
    %dma_wait3A_228 = tpu.memref_slice %arg3[%add3A_81, %dma_wait3A_227] : memref<16384x1024xf32, #tpu.memory_space<hbm>> -> memref<48x1024xf32, #tpu.memory_space<hbm>>
    %dma_wait3A_229 = arith.constant 0 : i32
    %dma_wait3A_230 = arith.constant 0 : i32
    %dma_wait3A_231 = tpu.memref_slice %arg4[%dma_wait3A_229, %dma_wait3A_230] : memref<88x1024xf32, #tpu.memory_space<vmem>> -> memref<48x1024xf32, #tpu.memory_space<vmem>>
    tpu.wait_dma2 semaphore(%dma_wait3A_226 : memref<!tpu.dma_semaphore, #tpu.memory_space<semaphore_mem>>) src(%dma_wait3A_231 : memref<48x1024xf32, #tpu.memory_space<vmem>>) dst(%dma_wait3A_228 : memref<48x1024xf32, #tpu.memory_space<hbm>>)
    %dma_wait3A_232 = arith.constant 0 : i32
    %dma_wait3A_233 = arith.constant 0 : i32
    %dma_wait3A_234 = arith.constant 0 : i32
    %dma_wait3A_235 = tpu.memref_slice %arg4[%dma_wait3A_233, %dma_wait3A_234] : memref<88x1024xf32, #tpu.memory_space<vmem>> -> memref<48x1024xf32, #tpu.memory_space<vmem>>
    %dma_wait3A_236 = arith.constant 0 : i32
    %dma_wait3A_237 = tpu.memref_slice %arg3[%add3A_98, %dma_wait3A_236] : memref<16384x1024xf32, #tpu.memory_space<hbm>> -> memref<48x1024xf32, #tpu.memory_space<hbm>>
    %dma_wait3A_238 = tpu.memref_slice %arg6[%dma_wait3A_232] : memref<3x!tpu.dma_semaphore, #tpu.memory_space<semaphore_mem>> -> memref<1x!tpu.dma_semaphore, #tpu.memory_space<semaphore_mem>>
    %dma_wait3A_239 = tpu.memref_squeeze %dma_wait3A_238 : memref<1x!tpu.dma_semaphore, #tpu.memory_space<semaphore_mem>> -> memref<!tpu.dma_semaphore, #tpu.memory_space<semaphore_mem>>
    %dma_wait3A_240 = arith.constant 0 : i32
    %dma_wait3A_241 = tpu.memref_slice %arg3[%add3A_98, %dma_wait3A_240] : memref<16384x1024xf32, #tpu.memory_space<hbm>> -> memref<48x1024xf32, #tpu.memory_space<hbm>>
    %dma_wait3A_242 = arith.constant 0 : i32
    %dma_wait3A_243 = arith.constant 0 : i32
    %dma_wait3A_244 = tpu.memref_slice %arg4[%dma_wait3A_242, %dma_wait3A_243] : memref<88x1024xf32, #tpu.memory_space<vmem>> -> memref<48x1024xf32, #tpu.memory_space<vmem>>
    tpu.wait_dma2 semaphore(%dma_wait3A_239 : memref<!tpu.dma_semaphore, #tpu.memory_space<semaphore_mem>>) src(%dma_wait3A_244 : memref<48x1024xf32, #tpu.memory_space<vmem>>) dst(%dma_wait3A_241 : memref<48x1024xf32, #tpu.memory_space<hbm>>)
    %add3A_245 = arith.constant 88 : i32
    %add3A_246 = arith.addi %mul3A_2, %add3A_245 : i32
    %dma_start3A_247 = arith.constant 2 : i32
    %dma_start3A_248 = arith.constant 0 : i32
    %dma_start3A_249 = arith.constant 0 : i32
    %dma_start3A_250 = tpu.memref_slice %arg4[%dma_start3A_248, %dma_start3A_249] : memref<88x1024xf32, #tpu.memory_space<vmem>> -> memref<40x1024xf32, #tpu.memory_space<vmem>>
    %dma_start3A_251 = arith.constant 0 : i32
    %dma_start3A_252 = tpu.memref_slice %arg2[%add3A_246, %dma_start3A_251] : memref<8192x1024xf32, #tpu.memory_space<hbm>> -> memref<40x1024xf32, #tpu.memory_space<hbm>>
    %dma_start3A_253 = tpu.memref_slice %arg5[%dma_start3A_247] : memref<3x!tpu.dma_semaphore, #tpu.memory_space<semaphore_mem>> -> memref<1x!tpu.dma_semaphore, #tpu.memory_space<semaphore_mem>>
    %dma_start3A_254 = tpu.memref_squeeze %dma_start3A_253 : memref<1x!tpu.dma_semaphore, #tpu.memory_space<semaphore_mem>> -> memref<!tpu.dma_semaphore, #tpu.memory_space<semaphore_mem>>
    %dma_start3A_255 = arith.constant 0 : i32
    %dma_start3A_256 = arith.constant 0 : i32
    %dma_start3A_257 = tpu.memref_slice %arg4[%dma_start3A_255, %dma_start3A_256] : memref<88x1024xf32, #tpu.memory_space<vmem>> -> memref<40x1024xf32, #tpu.memory_space<vmem>>
    %dma_start3A_258 = arith.constant 0 : i32
    %dma_start3A_259 = tpu.memref_slice %arg2[%add3A_246, %dma_start3A_258] : memref<8192x1024xf32, #tpu.memory_space<hbm>> -> memref<40x1024xf32, #tpu.memory_space<hbm>>
    tpu.enqueue_dma source(%dma_start3A_259 : memref<40x1024xf32, #tpu.memory_space<hbm>>) target(%dma_start3A_257 : memref<40x1024xf32, #tpu.memory_space<vmem>>) target_semaphore(%dma_start3A_254 : memref<!tpu.dma_semaphore, #tpu.memory_space<semaphore_mem>>)
    %dma_wait3A_260 = arith.constant 2 : i32
    %dma_wait3A_261 = arith.constant 0 : i32
    %dma_wait3A_262 = arith.constant 0 : i32
    %dma_wait3A_263 = tpu.memref_slice %arg4[%dma_wait3A_261, %dma_wait3A_262] : memref<88x1024xf32, #tpu.memory_space<vmem>> -> memref<40x1024xf32, #tpu.memory_space<vmem>>
    %dma_wait3A_264 = arith.constant 0 : i32
    %dma_wait3A_265 = tpu.memref_slice %arg2[%add3A_246, %dma_wait3A_264] : memref<8192x1024xf32, #tpu.memory_space<hbm>> -> memref<40x1024xf32, #tpu.memory_space<hbm>>
    %dma_wait3A_266 = tpu.memref_slice %arg5[%dma_wait3A_260] : memref<3x!tpu.dma_semaphore, #tpu.memory_space<semaphore_mem>> -> memref<1x!tpu.dma_semaphore, #tpu.memory_space<semaphore_mem>>
    %dma_wait3A_267 = tpu.memref_squeeze %dma_wait3A_266 : memref<1x!tpu.dma_semaphore, #tpu.memory_space<semaphore_mem>> -> memref<!tpu.dma_semaphore, #tpu.memory_space<semaphore_mem>>
    %dma_wait3A_268 = arith.constant 0 : i32
    %dma_wait3A_269 = arith.constant 0 : i32
    %dma_wait3A_270 = tpu.memref_slice %arg4[%dma_wait3A_268, %dma_wait3A_269] : memref<88x1024xf32, #tpu.memory_space<vmem>> -> memref<40x1024xf32, #tpu.memory_space<vmem>>
    %dma_wait3A_271 = arith.constant 0 : i32
    %dma_wait3A_272 = tpu.memref_slice %arg2[%add3A_246, %dma_wait3A_271] : memref<8192x1024xf32, #tpu.memory_space<hbm>> -> memref<40x1024xf32, #tpu.memory_space<hbm>>
    tpu.wait_dma2 semaphore(%dma_wait3A_267 : memref<!tpu.dma_semaphore, #tpu.memory_space<semaphore_mem>>) src(%dma_wait3A_272 : memref<40x1024xf32, #tpu.memory_space<hbm>>) dst(%dma_wait3A_270 : memref<40x1024xf32, #tpu.memory_space<vmem>>)
    %add3A_273 = arith.constant 0 : i32
    %add3A_274 = arith.addi %add3A_273, %mul3A_2 : i32
    %add3A_275 = arith.constant 88 : i32
    %add3A_276 = arith.addi %add3A_274, %add3A_275 : i32
    %dma_start3A_277 = arith.constant 2 : i32
    %dma_start3A_278 = arith.constant 0 : i32
    %dma_start3A_279 = arith.constant 0 : i32
    %dma_start3A_280 = tpu.memref_slice %arg4[%dma_start3A_278, %dma_start3A_279] : memref<88x1024xf32, #tpu.memory_space<vmem>> -> memref<40x1024xf32, #tpu.memory_space<vmem>>
    %dma_start3A_281 = arith.constant 0 : i32
    %dma_start3A_282 = tpu.memref_slice %arg3[%add3A_276, %dma_start3A_281] : memref<16384x1024xf32, #tpu.memory_space<hbm>> -> memref<40x1024xf32, #tpu.memory_space<hbm>>
    %dma_start3A_283 = tpu.memref_slice %arg6[%dma_start3A_277] : memref<3x!tpu.dma_semaphore, #tpu.memory_space<semaphore_mem>> -> memref<1x!tpu.dma_semaphore, #tpu.memory_space<semaphore_mem>>
    %dma_start3A_284 = tpu.memref_squeeze %dma_start3A_283 : memref<1x!tpu.dma_semaphore, #tpu.memory_space<semaphore_mem>> -> memref<!tpu.dma_semaphore, #tpu.memory_space<semaphore_mem>>
    %dma_start3A_285 = arith.constant 0 : i32
    %dma_start3A_286 = tpu.memref_slice %arg3[%add3A_276, %dma_start3A_285] : memref<16384x1024xf32, #tpu.memory_space<hbm>> -> memref<40x1024xf32, #tpu.memory_space<hbm>>
    %dma_start3A_287 = arith.constant 0 : i32
    %dma_start3A_288 = arith.constant 0 : i32
    %dma_start3A_289 = tpu.memref_slice %arg4[%dma_start3A_287, %dma_start3A_288] : memref<88x1024xf32, #tpu.memory_space<vmem>> -> memref<40x1024xf32, #tpu.memory_space<vmem>>
    tpu.enqueue_dma source(%dma_start3A_289 : memref<40x1024xf32, #tpu.memory_space<vmem>>) target(%dma_start3A_286 : memref<40x1024xf32, #tpu.memory_space<hbm>>) target_semaphore(%dma_start3A_284 : memref<!tpu.dma_semaphore, #tpu.memory_space<semaphore_mem>>)
    %add3A_290 = arith.constant 4096 : i32
    %add3A_291 = arith.addi %add3A_290, %mul3A_2 : i32
    %add3A_292 = arith.constant 88 : i32
    %add3A_293 = arith.addi %add3A_291, %add3A_292 : i32
    %dma_start3A_294 = arith.constant 2 : i32
    %dma_start3A_295 = arith.constant 0 : i32
    %dma_start3A_296 = arith.constant 0 : i32
    %dma_start3A_297 = tpu.memref_slice %arg4[%dma_start3A_295, %dma_start3A_296] : memref<88x1024xf32, #tpu.memory_space<vmem>> -> memref<40x1024xf32, #tpu.memory_space<vmem>>
    %dma_start3A_298 = arith.constant 0 : i32
    %dma_start3A_299 = tpu.memref_slice %arg3[%add3A_293, %dma_start3A_298] : memref<16384x1024xf32, #tpu.memory_space<hbm>> -> memref<40x1024xf32, #tpu.memory_space<hbm>>
    %dma_start3A_300 = tpu.memref_slice %arg6[%dma_start3A_294] : memref<3x!tpu.dma_semaphore, #tpu.memory_space<semaphore_mem>> -> memref<1x!tpu.dma_semaphore, #tpu.memory_space<semaphore_mem>>
    %dma_start3A_301 = tpu.memref_squeeze %dma_start3A_300 : memref<1x!tpu.dma_semaphore, #tpu.memory_space<semaphore_mem>> -> memref<!tpu.dma_semaphore, #tpu.memory_space<semaphore_mem>>
    %dma_start3A_302 = arith.constant 0 : i32
    %dma_start3A_303 = tpu.memref_slice %arg3[%add3A_293, %dma_start3A_302] : memref<16384x1024xf32, #tpu.memory_space<hbm>> -> memref<40x1024xf32, #tpu.memory_space<hbm>>
    %dma_start3A_304 = arith.constant 0 : i32
    %dma_start3A_305 = arith.constant 0 : i32
    %dma_start3A_306 = tpu.memref_slice %arg4[%dma_start3A_304, %dma_start3A_305] : memref<88x1024xf32, #tpu.memory_space<vmem>> -> memref<40x1024xf32, #tpu.memory_space<vmem>>
    tpu.enqueue_dma source(%dma_start3A_306 : memref<40x1024xf32, #tpu.memory_space<vmem>>) target(%dma_start3A_303 : memref<40x1024xf32, #tpu.memory_space<hbm>>) target_semaphore(%dma_start3A_301 : memref<!tpu.dma_semaphore, #tpu.memory_space<semaphore_mem>>)
    %add3A_307 = arith.constant 8192 : i32
    %add3A_308 = arith.addi %add3A_307, %mul3A_2 : i32
    %add3A_309 = arith.constant 88 : i32
    %add3A_310 = arith.addi %add3A_308, %add3A_309 : i32
    %dma_start3A_311 = arith.constant 2 : i32
    %dma_start3A_312 = arith.constant 0 : i32
    %dma_start3A_313 = arith.constant 0 : i32
    %dma_start3A_314 = tpu.memref_slice %arg4[%dma_start3A_312, %dma_start3A_313] : memref<88x1024xf32, #tpu.memory_space<vmem>> -> memref<40x1024xf32, #tpu.memory_space<vmem>>
    %dma_start3A_315 = arith.constant 0 : i32
    %dma_start3A_316 = tpu.memref_slice %arg3[%add3A_310, %dma_start3A_315] : memref<16384x1024xf32, #tpu.memory_space<hbm>> -> memref<40x1024xf32, #tpu.memory_space<hbm>>
    %dma_start3A_317 = tpu.memref_slice %arg6[%dma_start3A_311] : memref<3x!tpu.dma_semaphore, #tpu.memory_space<semaphore_mem>> -> memref<1x!tpu.dma_semaphore, #tpu.memory_space<semaphore_mem>>
    %dma_start3A_318 = tpu.memref_squeeze %dma_start3A_317 : memref<1x!tpu.dma_semaphore, #tpu.memory_space<semaphore_mem>> -> memref<!tpu.dma_semaphore, #tpu.memory_space<semaphore_mem>>
    %dma_start3A_319 = arith.constant 0 : i32
    %dma_start3A_320 = tpu.memref_slice %arg3[%add3A_310, %dma_start3A_319] : memref<16384x1024xf32, #tpu.memory_space<hbm>> -> memref<40x1024xf32, #tpu.memory_space<hbm>>
    %dma_start3A_321 = arith.constant 0 : i32
    %dma_start3A_322 = arith.constant 0 : i32
    %dma_start3A_323 = tpu.memref_slice %arg4[%dma_start3A_321, %dma_start3A_322] : memref<88x1024xf32, #tpu.memory_space<vmem>> -> memref<40x1024xf32, #tpu.memory_space<vmem>>
    tpu.enqueue_dma source(%dma_start3A_323 : memref<40x1024xf32, #tpu.memory_space<vmem>>) target(%dma_start3A_320 : memref<40x1024xf32, #tpu.memory_space<hbm>>) target_semaphore(%dma_start3A_318 : memref<!tpu.dma_semaphore, #tpu.memory_space<semaphore_mem>>)
    %add3A_324 = arith.constant 12288 : i32
    %add3A_325 = arith.addi %add3A_324, %mul3A_2 : i32
    %add3A_326 = arith.constant 88 : i32
    %add3A_327 = arith.addi %add3A_325, %add3A_326 : i32
    %dma_start3A_328 = arith.constant 2 : i32
    %dma_start3A_329 = arith.constant 0 : i32
    %dma_start3A_330 = arith.constant 0 : i32
    %dma_start3A_331 = tpu.memref_slice %arg4[%dma_start3A_329, %dma_start3A_330] : memref<88x1024xf32, #tpu.memory_space<vmem>> -> memref<40x1024xf32, #tpu.memory_space<vmem>>
    %dma_start3A_332 = arith.constant 0 : i32
    %dma_start3A_333 = tpu.memref_slice %arg3[%add3A_327, %dma_start3A_332] : memref<16384x1024xf32, #tpu.memory_space<hbm>> -> memref<40x1024xf32, #tpu.memory_space<hbm>>
    %dma_start3A_334 = tpu.memref_slice %arg6[%dma_start3A_328] : memref<3x!tpu.dma_semaphore, #tpu.memory_space<semaphore_mem>> -> memref<1x!tpu.dma_semaphore, #tpu.memory_space<semaphore_mem>>
    %dma_start3A_335 = tpu.memref_squeeze %dma_start3A_334 : memref<1x!tpu.dma_semaphore, #tpu.memory_space<semaphore_mem>> -> memref<!tpu.dma_semaphore, #tpu.memory_space<semaphore_mem>>
    %dma_start3A_336 = arith.constant 0 : i32
    %dma_start3A_337 = tpu.memref_slice %arg3[%add3A_327, %dma_start3A_336] : memref<16384x1024xf32, #tpu.memory_space<hbm>> -> memref<40x1024xf32, #tpu.memory_space<hbm>>
    %dma_start3A_338 = arith.constant 0 : i32
    %dma_start3A_339 = arith.constant 0 : i32
    %dma_start3A_340 = tpu.memref_slice %arg4[%dma_start3A_338, %dma_start3A_339] : memref<88x1024xf32, #tpu.memory_space<vmem>> -> memref<40x1024xf32, #tpu.memory_space<vmem>>
    tpu.enqueue_dma source(%dma_start3A_340 : memref<40x1024xf32, #tpu.memory_space<vmem>>) target(%dma_start3A_337 : memref<40x1024xf32, #tpu.memory_space<hbm>>) target_semaphore(%dma_start3A_335 : memref<!tpu.dma_semaphore, #tpu.memory_space<semaphore_mem>>)
    %dma_wait3A_341 = arith.constant 1 : i32
    %dma_wait3A_342 = arith.constant 48 : i32
    %dma_wait3A_343 = arith.constant 0 : i32
    %dma_wait3A_344 = tpu.memref_slice %arg4[%dma_wait3A_342, %dma_wait3A_343] : memref<88x1024xf32, #tpu.memory_space<vmem>> -> memref<40x1024xf32, #tpu.memory_space<vmem>>
    %dma_wait3A_345 = arith.constant 0 : i32
    %dma_wait3A_346 = tpu.memref_slice %arg3[%add3A_128, %dma_wait3A_345] : memref<16384x1024xf32, #tpu.memory_space<hbm>> -> memref<40x1024xf32, #tpu.memory_space<hbm>>
    %dma_wait3A_347 = tpu.memref_slice %arg6[%dma_wait3A_341] : memref<3x!tpu.dma_semaphore, #tpu.memory_space<semaphore_mem>> -> memref<1x!tpu.dma_semaphore, #tpu.memory_space<semaphore_mem>>
    %dma_wait3A_348 = tpu.memref_squeeze %dma_wait3A_347 : memref<1x!tpu.dma_semaphore, #tpu.memory_space<semaphore_mem>> -> memref<!tpu.dma_semaphore, #tpu.memory_space<semaphore_mem>>
    %dma_wait3A_349 = arith.constant 0 : i32
    %dma_wait3A_350 = tpu.memref_slice %arg3[%add3A_128, %dma_wait3A_349] : memref<16384x1024xf32, #tpu.memory_space<hbm>> -> memref<40x1024xf32, #tpu.memory_space<hbm>>
    %dma_wait3A_351 = arith.constant 48 : i32
    %dma_wait3A_352 = arith.constant 0 : i32
    %dma_wait3A_353 = tpu.memref_slice %arg4[%dma_wait3A_351, %dma_wait3A_352] : memref<88x1024xf32, #tpu.memory_space<vmem>> -> memref<40x1024xf32, #tpu.memory_space<vmem>>
    tpu.wait_dma2 semaphore(%dma_wait3A_348 : memref<!tpu.dma_semaphore, #tpu.memory_space<semaphore_mem>>) src(%dma_wait3A_353 : memref<40x1024xf32, #tpu.memory_space<vmem>>) dst(%dma_wait3A_350 : memref<40x1024xf32, #tpu.memory_space<hbm>>)
    %dma_wait3A_354 = arith.constant 1 : i32
    %dma_wait3A_355 = arith.constant 48 : i32
    %dma_wait3A_356 = arith.constant 0 : i32
    %dma_wait3A_357 = tpu.memref_slice %arg4[%dma_wait3A_355, %dma_wait3A_356] : memref<88x1024xf32, #tpu.memory_space<vmem>> -> memref<40x1024xf32, #tpu.memory_space<vmem>>
    %dma_wait3A_358 = arith.constant 0 : i32
    %dma_wait3A_359 = tpu.memref_slice %arg3[%add3A_145, %dma_wait3A_358] : memref<16384x1024xf32, #tpu.memory_space<hbm>> -> memref<40x1024xf32, #tpu.memory_space<hbm>>
    %dma_wait3A_360 = tpu.memref_slice %arg6[%dma_wait3A_354] : memref<3x!tpu.dma_semaphore, #tpu.memory_space<semaphore_mem>> -> memref<1x!tpu.dma_semaphore, #tpu.memory_space<semaphore_mem>>
    %dma_wait3A_361 = tpu.memref_squeeze %dma_wait3A_360 : memref<1x!tpu.dma_semaphore, #tpu.memory_space<semaphore_mem>> -> memref<!tpu.dma_semaphore, #tpu.memory_space<semaphore_mem>>
    %dma_wait3A_362 = arith.constant 0 : i32
    %dma_wait3A_363 = tpu.memref_slice %arg3[%add3A_145, %dma_wait3A_362] : memref<16384x1024xf32, #tpu.memory_space<hbm>> -> memref<40x1024xf32, #tpu.memory_space<hbm>>
    %dma_wait3A_364 = arith.constant 48 : i32
    %dma_wait3A_365 = arith.constant 0 : i32
    %dma_wait3A_366 = tpu.memref_slice %arg4[%dma_wait3A_364, %dma_wait3A_365] : memref<88x1024xf32, #tpu.memory_space<vmem>> -> memref<40x1024xf32, #tpu.memory_space<vmem>>
    tpu.wait_dma2 semaphore(%dma_wait3A_361 : memref<!tpu.dma_semaphore, #tpu.memory_space<semaphore_mem>>) src(%dma_wait3A_366 : memref<40x1024xf32, #tpu.memory_space<vmem>>) dst(%dma_wait3A_363 : memref<40x1024xf32, #tpu.memory_space<hbm>>)
    %dma_wait3A_367 = arith.constant 1 : i32
    %dma_wait3A_368 = arith.constant 48 : i32
    %dma_wait3A_369 = arith.constant 0 : i32
    %dma_wait3A_370 = tpu.memref_slice %arg4[%dma_wait3A_368, %dma_wait3A_369] : memref<88x1024xf32, #tpu.memory_space<vmem>> -> memref<40x1024xf32, #tpu.memory_space<vmem>>
    %dma_wait3A_371 = arith.constant 0 : i32
    %dma_wait3A_372 = tpu.memref_slice %arg3[%add3A_162, %dma_wait3A_371] : memref<16384x1024xf32, #tpu.memory_space<hbm>> -> memref<40x1024xf32, #tpu.memory_space<hbm>>
    %dma_wait3A_373 = tpu.memref_slice %arg6[%dma_wait3A_367] : memref<3x!tpu.dma_semaphore, #tpu.memory_space<semaphore_mem>> -> memref<1x!tpu.dma_semaphore, #tpu.memory_space<semaphore_mem>>
    %dma_wait3A_374 = tpu.memref_squeeze %dma_wait3A_373 : memref<1x!tpu.dma_semaphore, #tpu.memory_space<semaphore_mem>> -> memref<!tpu.dma_semaphore, #tpu.memory_space<semaphore_mem>>
    %dma_wait3A_375 = arith.constant 0 : i32
    %dma_wait3A_376 = tpu.memref_slice %arg3[%add3A_162, %dma_wait3A_375] : memref<16384x1024xf32, #tpu.memory_space<hbm>> -> memref<40x1024xf32, #tpu.memory_space<hbm>>
    %dma_wait3A_377 = arith.constant 48 : i32
    %dma_wait3A_378 = arith.constant 0 : i32
    %dma_wait3A_379 = tpu.memref_slice %arg4[%dma_wait3A_377, %dma_wait3A_378] : memref<88x1024xf32, #tpu.memory_space<vmem>> -> memref<40x1024xf32, #tpu.memory_space<vmem>>
    tpu.wait_dma2 semaphore(%dma_wait3A_374 : memref<!tpu.dma_semaphore, #tpu.memory_space<semaphore_mem>>) src(%dma_wait3A_379 : memref<40x1024xf32, #tpu.memory_space<vmem>>) dst(%dma_wait3A_376 : memref<40x1024xf32, #tpu.memory_space<hbm>>)
    %dma_wait3A_380 = arith.constant 1 : i32
    %dma_wait3A_381 = arith.constant 48 : i32
    %dma_wait3A_382 = arith.constant 0 : i32
    %dma_wait3A_383 = tpu.memref_slice %arg4[%dma_wait3A_381, %dma_wait3A_382] : memref<88x1024xf32, #tpu.memory_space<vmem>> -> memref<40x1024xf32, #tpu.memory_space<vmem>>
    %dma_wait3A_384 = arith.constant 0 : i32
    %dma_wait3A_385 = tpu.memref_slice %arg3[%add3A_179, %dma_wait3A_384] : memref<16384x1024xf32, #tpu.memory_space<hbm>> -> memref<40x1024xf32, #tpu.memory_space<hbm>>
    %dma_wait3A_386 = tpu.memref_slice %arg6[%dma_wait3A_380] : memref<3x!tpu.dma_semaphore, #tpu.memory_space<semaphore_mem>> -> memref<1x!tpu.dma_semaphore, #tpu.memory_space<semaphore_mem>>
    %dma_wait3A_387 = tpu.memref_squeeze %dma_wait3A_386 : memref<1x!tpu.dma_semaphore, #tpu.memory_space<semaphore_mem>> -> memref<!tpu.dma_semaphore, #tpu.memory_space<semaphore_mem>>
    %dma_wait3A_388 = arith.constant 0 : i32
    %dma_wait3A_389 = tpu.memref_slice %arg3[%add3A_179, %dma_wait3A_388] : memref<16384x1024xf32, #tpu.memory_space<hbm>> -> memref<40x1024xf32, #tpu.memory_space<hbm>>
    %dma_wait3A_390 = arith.constant 48 : i32
    %dma_wait3A_391 = arith.constant 0 : i32
    %dma_wait3A_392 = tpu.memref_slice %arg4[%dma_wait3A_390, %dma_wait3A_391] : memref<88x1024xf32, #tpu.memory_space<vmem>> -> memref<40x1024xf32, #tpu.memory_space<vmem>>
    tpu.wait_dma2 semaphore(%dma_wait3A_387 : memref<!tpu.dma_semaphore, #tpu.memory_space<semaphore_mem>>) src(%dma_wait3A_392 : memref<40x1024xf32, #tpu.memory_space<vmem>>) dst(%dma_wait3A_389 : memref<40x1024xf32, #tpu.memory_space<hbm>>)
    %dma_wait3A_393 = arith.constant 2 : i32
    %dma_wait3A_394 = arith.constant 0 : i32
    %dma_wait3A_395 = arith.constant 0 : i32
    %dma_wait3A_396 = tpu.memref_slice %arg4[%dma_wait3A_394, %dma_wait3A_395] : memref<88x1024xf32, #tpu.memory_space<vmem>> -> memref<40x1024xf32, #tpu.memory_space<vmem>>
    %dma_wait3A_397 = arith.constant 0 : i32
    %dma_wait3A_398 = tpu.memref_slice %arg3[%add3A_276, %dma_wait3A_397] : memref<16384x1024xf32, #tpu.memory_space<hbm>> -> memref<40x1024xf32, #tpu.memory_space<hbm>>
    %dma_wait3A_399 = tpu.memref_slice %arg6[%dma_wait3A_393] : memref<3x!tpu.dma_semaphore, #tpu.memory_space<semaphore_mem>> -> memref<1x!tpu.dma_semaphore, #tpu.memory_space<semaphore_mem>>
    %dma_wait3A_400 = tpu.memref_squeeze %dma_wait3A_399 : memref<1x!tpu.dma_semaphore, #tpu.memory_space<semaphore_mem>> -> memref<!tpu.dma_semaphore, #tpu.memory_space<semaphore_mem>>
    %dma_wait3A_401 = arith.constant 0 : i32
    %dma_wait3A_402 = tpu.memref_slice %arg3[%add3A_276, %dma_wait3A_401] : memref<16384x1024xf32, #tpu.memory_space<hbm>> -> memref<40x1024xf32, #tpu.memory_space<hbm>>
    %dma_wait3A_403 = arith.constant 0 : i32
    %dma_wait3A_404 = arith.constant 0 : i32
    %dma_wait3A_405 = tpu.memref_slice %arg4[%dma_wait3A_403, %dma_wait3A_404] : memref<88x1024xf32, #tpu.memory_space<vmem>> -> memref<40x1024xf32, #tpu.memory_space<vmem>>
    tpu.wait_dma2 semaphore(%dma_wait3A_400 : memref<!tpu.dma_semaphore, #tpu.memory_space<semaphore_mem>>) src(%dma_wait3A_405 : memref<40x1024xf32, #tpu.memory_space<vmem>>) dst(%dma_wait3A_402 : memref<40x1024xf32, #tpu.memory_space<hbm>>)
    %dma_wait3A_406 = arith.constant 2 : i32
    %dma_wait3A_407 = arith.constant 0 : i32
    %dma_wait3A_408 = arith.constant 0 : i32
    %dma_wait3A_409 = tpu.memref_slice %arg4[%dma_wait3A_407, %dma_wait3A_408] : memref<88x1024xf32, #tpu.memory_space<vmem>> -> memref<40x1024xf32, #tpu.memory_space<vmem>>
    %dma_wait3A_410 = arith.constant 0 : i32
    %dma_wait3A_411 = tpu.memref_slice %arg3[%add3A_293, %dma_wait3A_410] : memref<16384x1024xf32, #tpu.memory_space<hbm>> -> memref<40x1024xf32, #tpu.memory_space<hbm>>
    %dma_wait3A_412 = tpu.memref_slice %arg6[%dma_wait3A_406] : memref<3x!tpu.dma_semaphore, #tpu.memory_space<semaphore_mem>> -> memref<1x!tpu.dma_semaphore, #tpu.memory_space<semaphore_mem>>
    %dma_wait3A_413 = tpu.memref_squeeze %dma_wait3A_412 : memref<1x!tpu.dma_semaphore, #tpu.memory_space<semaphore_mem>> -> memref<!tpu.dma_semaphore, #tpu.memory_space<semaphore_mem>>
    %dma_wait3A_414 = arith.constant 0 : i32
    %dma_wait3A_415 = tpu.memref_slice %arg3[%add3A_293, %dma_wait3A_414] : memref<16384x1024xf32, #tpu.memory_space<hbm>> -> memref<40x1024xf32, #tpu.memory_space<hbm>>
    %dma_wait3A_416 = arith.constant 0 : i32
    %dma_wait3A_417 = arith.constant 0 : i32
    %dma_wait3A_418 = tpu.memref_slice %arg4[%dma_wait3A_416, %dma_wait3A_417] : memref<88x1024xf32, #tpu.memory_space<vmem>> -> memref<40x1024xf32, #tpu.memory_space<vmem>>
    tpu.wait_dma2 semaphore(%dma_wait3A_413 : memref<!tpu.dma_semaphore, #tpu.memory_space<semaphore_mem>>) src(%dma_wait3A_418 : memref<40x1024xf32, #tpu.memory_space<vmem>>) dst(%dma_wait3A_415 : memref<40x1024xf32, #tpu.memory_space<hbm>>)
    %dma_wait3A_419 = arith.constant 2 : i32
    %dma_wait3A_420 = arith.constant 0 : i32
    %dma_wait3A_421 = arith.constant 0 : i32
    %dma_wait3A_422 = tpu.memref_slice %arg4[%dma_wait3A_420, %dma_wait3A_421] : memref<88x1024xf32, #tpu.memory_space<vmem>> -> memref<40x1024xf32, #tpu.memory_space<vmem>>
    %dma_wait3A_423 = arith.constant 0 : i32
    %dma_wait3A_424 = tpu.memref_slice %arg3[%add3A_310, %dma_wait3A_423] : memref<16384x1024xf32, #tpu.memory_space<hbm>> -> memref<40x1024xf32, #tpu.memory_space<hbm>>
    %dma_wait3A_425 = tpu.memref_slice %arg6[%dma_wait3A_419] : memref<3x!tpu.dma_semaphore, #tpu.memory_space<semaphore_mem>> -> memref<1x!tpu.dma_semaphore, #tpu.memory_space<semaphore_mem>>
    %dma_wait3A_426 = tpu.memref_squeeze %dma_wait3A_425 : memref<1x!tpu.dma_semaphore, #tpu.memory_space<semaphore_mem>> -> memref<!tpu.dma_semaphore, #tpu.memory_space<semaphore_mem>>
    %dma_wait3A_427 = arith.constant 0 : i32
    %dma_wait3A_428 = tpu.memref_slice %arg3[%add3A_310, %dma_wait3A_427] : memref<16384x1024xf32, #tpu.memory_space<hbm>> -> memref<40x1024xf32, #tpu.memory_space<hbm>>
    %dma_wait3A_429 = arith.constant 0 : i32
    %dma_wait3A_430 = arith.constant 0 : i32
    %dma_wait3A_431 = tpu.memref_slice %arg4[%dma_wait3A_429, %dma_wait3A_430] : memref<88x1024xf32, #tpu.memory_space<vmem>> -> memref<40x1024xf32, #tpu.memory_space<vmem>>
    tpu.wait_dma2 semaphore(%dma_wait3A_426 : memref<!tpu.dma_semaphore, #tpu.memory_space<semaphore_mem>>) src(%dma_wait3A_431 : memref<40x1024xf32, #tpu.memory_space<vmem>>) dst(%dma_wait3A_428 : memref<40x1024xf32, #tpu.memory_space<hbm>>)
    %dma_wait3A_432 = arith.constant 2 : i32
    %dma_wait3A_433 = arith.constant 0 : i32
    %dma_wait3A_434 = arith.constant 0 : i32
    %dma_wait3A_435 = tpu.memref_slice %arg4[%dma_wait3A_433, %dma_wait3A_434] : memref<88x1024xf32, #tpu.memory_space<vmem>> -> memref<40x1024xf32, #tpu.memory_space<vmem>>
    %dma_wait3A_436 = arith.constant 0 : i32
    %dma_wait3A_437 = tpu.memref_slice %arg3[%add3A_327, %dma_wait3A_436] : memref<16384x1024xf32, #tpu.memory_space<hbm>> -> memref<40x1024xf32, #tpu.memory_space<hbm>>
    %dma_wait3A_438 = tpu.memref_slice %arg6[%dma_wait3A_432] : memref<3x!tpu.dma_semaphore, #tpu.memory_space<semaphore_mem>> -> memref<1x!tpu.dma_semaphore, #tpu.memory_space<semaphore_mem>>
    %dma_wait3A_439 = tpu.memref_squeeze %dma_wait3A_438 : memref<1x!tpu.dma_semaphore, #tpu.memory_space<semaphore_mem>> -> memref<!tpu.dma_semaphore, #tpu.memory_space<semaphore_mem>>
    %dma_wait3A_440 = arith.constant 0 : i32
    %dma_wait3A_441 = tpu.memref_slice %arg3[%add3A_327, %dma_wait3A_440] : memref<16384x1024xf32, #tpu.memory_space<hbm>> -> memref<40x1024xf32, #tpu.memory_space<hbm>>
    %dma_wait3A_442 = arith.constant 0 : i32
    %dma_wait3A_443 = arith.constant 0 : i32
    %dma_wait3A_444 = tpu.memref_slice %arg4[%dma_wait3A_442, %dma_wait3A_443] : memref<88x1024xf32, #tpu.memory_space<vmem>> -> memref<40x1024xf32, #tpu.memory_space<vmem>>
    tpu.wait_dma2 semaphore(%dma_wait3A_439 : memref<!tpu.dma_semaphore, #tpu.memory_space<semaphore_mem>>) src(%dma_wait3A_444 : memref<40x1024xf32, #tpu.memory_space<vmem>>) dst(%dma_wait3A_441 : memref<40x1024xf32, #tpu.memory_space<hbm>>)
    return
  }
}

</mosaic_0001>

<sc_bundles>
// kernel: kernel.3.cloned.1.call-start
scs
__scs_entry_jumppad:
0x0: {  	(pc) =	sbr.rel $0x88, $3  }
0x1: {  	(tag) =	ssettag $0x0;
	lr =	simm.s32 $0x1  }
0x2: {  	[smem:$0x3FA0] =	sst lr;
	_ =	strace $0xD0000000  }
0x3: {  	_ = 	snop  }
0x4: {  	_ = 	snop  }
0x5: {  	_ = 	snop  }
0x6: {  	_ = 	snop  }
0x7: {  	_ = 	snop  }
__scs_overlays_trampoline_lowered:
0x8: {  	[smem:$0x3FAF] =	sst s0  }
0x9: {  	[smem:$0x3FB0] =	sst s1  }
0xa: {  	[smem:$0x3FB1] =	sst s2  }
0xb: {  	[smem:$0x3FB2] =	sst s3  }
0xc: {  	[smem:$0x3FB3] =	sst s4  }
0xd: {  	[smem:$0x3FB4] =	sst s5  }
0xe: {  	[smem:$0x3FB5] =	sst s6  }
0xf: {  	[smem:$0x3FB6] =	sst s7  }
0x10: {  	[smem:$0x3FB7] =	sst s8  }
0x11: {  	[smem:$0x3FB8] =	sst s9;
	s0 =	simm.s32 @!p0 $0x0  }
0x12: {  	s1 =	sld [smem:$0x3F9E];
	s0 =	simm.s32 @p0 $0x1  }
0x13: {  	[smem:$0x3FB9] =	sst s0;
	s0 =	simm.s32 @!p1 $0x0  }
0x14: {  	s2 =	sld [smem:$0x3F9D];
	s0 =	simm.s32 @p1 $0x1  }
0x15: {  	[smem:$0x3FBA] =	sst s0;
	s0 =	simm.s32 @!p2 $0x0  }
0x16: {  	s3 =	sld [smem:$0x3FDB];
	s0 =	simm.s32 @p2 $0x1  }
0x17: {  	s4 =	simm.s32 $0x1BF5;
	[smem:$0x3FBC] =	sst s0  }
0x18: {  	s0 =	sld [smem:$0x3F9F];
	_ =	swait.ge [sflag:s4], $0x0  }
0x19: {  	s7 =	sld [smem:$0x3FA0]  }
0x1a: {  	s8 =	sadd.s32 $0xFFFFE003, lr  }
0x1b: {  	s9 =	sadd.s32 $0xFFFFFEF7, lr;
	s5 =	simm.s32 $0xFFFFFFFF;
	p2 =	slt.u32 s8, $0xFFFFF086  }
0x1c: {  	p1 =	slt.u32 s9, $0xF7A;
	s5 =	simm.s32 @!p2 $0x0  }
0x1d: {  	s5 =	simm.s32 @p1 $0x1;
	p0 =	seq.s32 s7, s2  }
0x1e: {  	s7 =	smul.u32 @!p0 $0xF7A, s2;
	p2 =	seq.s32 @!p0 s5, $0x0  }
0x1f: {  	s9 =	smul.u32 $0xF7A, s1;
	s8 =	simm.s32 @!p0 $0x1BF5;
	p2 =	por !p2, p0  }
0x20: {  	[sflag:s8] =	ssyncset.s32 @!p0 $0xFFFFF086;
	s6 =	sadd.s32 @!p0 s3, s7;
	s7 =	simm.s32 @!p0 $0x108  }
0x21: {  	s3 =	sadd.s32 s3, s9;
	s6 =	sadd.s32 @!p0 $0x88, s6;
	s7 =	simm.s32 @p2 $0x1082  }
0x22: {  	[simem:s7], [sflag:s8] =	dma.local @!p0 [hbm:s6], $0xF7A  }
0x23: {  	s9 =	sor.u32 $0xD0000000, s2;
	s6 =	simm.s32 $0x108;
	_ =	swait.ge @!p0 [sflag:s8], $0x0  }
0x24: {  	s3 =	sadd.s32 $0x88, s3;
	s6 =	simm.s32 @!p1 $0x1082;
	[sflag:s4] =	ssyncset.s32 $0xFFFFF086  }
0x25: {  	[simem:s6], [sflag:s4] =	dma.local [hbm:s3], $0xF7A  }
0x26: {  	[smem:$0x3FA0] =	sst s1;
	(tag) =	ssettag s2;
	_ =	strace s9  }
0x27: {  	s1 =	sld [smem:$0x3FB0]  }
0x28: {  	s2 =	sld [smem:$0x3FB1]  }
0x29: {  	s4 =	sld [smem:$0x3FB3]  }
0x2a: {  	p0 =	seq.s32 s5, $0x0;
	s5 =	sld [smem:$0x3FB4]  }
0x2b: {  	s6 =	sld [smem:$0x3FB5]  }
0x2c: {  	s7 =	sld [smem:$0x3FB6]  }
0x2d: {  	s3 =	simm.s32 $0x108;
	s8 =	sld [smem:$0x3FB7]  }
0x2e: {  	s3 =	simm.s32 @!p0 $0x1082;
	s9 =	sld [smem:$0x3FB8]  }
0x2f: {  	lr =	sadd.s32 s0, s3;
	s0 =	sld [smem:$0x3FAF]  }
0x30: {  	s3 =	sld [smem:$0x3FB2]  }
0x31: {  	[smem:$0x3FBB] =	sst s10  }
0x32: {  	s10 =	sld [smem:$0x3FB9];
	_ =	sdelay $0x3  }
0x33: {  	p0 =	seq.s32 s10, $0x1;
	s10 =	sld [smem:$0x3FBB];
	_ =	sdelay $0x3  }
0x34: {  	[smem:$0x3FBB] =	sst s10  }
0x35: {  	s10 =	sld [smem:$0x3FBA];
	_ =	sdelay $0x3  }
0x36: {  	p1 =	seq.s32 s10, $0x1;
	s10 =	sld [smem:$0x3FBB];
	_ =	sdelay $0x3  }
0x37: {  	[smem:$0x3FBB] =	sst s10  }
0x38: {  	s10 =	sld [smem:$0x3FBC]  }
0x39: {  	_ = 	snop;
	(pc) =	sbr.ind lr, $3  }
0x3a: {  	_ = 	snop  }
0x3b: {  	_ = 	snop  }
0x3c: {  	p2 =	seq.s32 s10, $0x1;
	s10 =	sld [smem:$0x3FBB]  }
0x3d: {  	_ =	shalt  }
0x3e: {  	_ =	shalt  }
0x3f: {  	_ =	shalt  }
0x40: {  	_ =	shalt  }
0x41: {  	_ =	shalt  }
0x42: {  	_ =	shalt  }
0x43: {  	_ =	shalt  }
0x44: {  	_ =	shalt  }
0x45: {  	_ =	shalt  }
0x46: {  	_ =	shalt  }
0x47: {  	_ =	shalt  }
0x48: {  	_ =	shalt  }
0x49: {  	_ =	shalt  }
0x4a: {  	_ =	shalt  }
0x4b: {  	_ =	shalt  }
0x4c: {  	_ =	shalt  }
0x4d: {  	_ =	shalt  }
0x4e: {  	_ =	shalt  }
0x4f: {  	_ =	shalt  }
0x50: {  	_ =	shalt  }
0x51: {  	_ =	shalt  }
0x52: {  	_ =	shalt  }
0x53: {  	_ =	shalt  }
0x54: {  	_ =	shalt  }
0x55: {  	_ =	shalt  }
0x56: {  	_ =	shalt  }
0x57: {  	_ =	shalt  }
0x58: {  	_ =	shalt  }
0x59: {  	_ =	shalt  }
0x5a: {  	_ =	shalt  }
0x5b: {  	_ =	shalt  }
0x5c: {  	_ =	shalt  }
0x5d: {  	_ =	shalt  }
0x5e: {  	_ =	shalt  }
0x5f: {  	_ =	shalt  }
0x60: {  	_ =	shalt  }
0x61: {  	_ =	shalt  }
0x62: {  	_ =	shalt  }
0x63: {  	_ =	shalt  }
0x64: {  	_ =	shalt  }
0x65: {  	_ =	shalt  }
0x66: {  	_ =	shalt  }
0x67: {  	_ =	shalt  }
0x68: {  	_ =	shalt  }
0x69: {  	_ =	shalt  }
0x6a: {  	_ =	shalt  }
0x6b: {  	_ =	shalt  }
0x6c: {  	_ =	shalt  }
0x6d: {  	_ =	shalt  }
0x6e: {  	_ =	shalt  }
0x6f: {  	_ =	shalt  }
0x70: {  	_ =	shalt  }
0x71: {  	_ =	shalt  }
0x72: {  	_ =	shalt  }
0x73: {  	_ =	shalt  }
0x74: {  	_ =	shalt  }
0x75: {  	_ =	shalt  }
0x76: {  	_ =	shalt  }
0x77: {  	_ =	shalt  }
0x78: {  	_ =	shalt  }
0x79: {  	_ =	shalt  }
0x7a: {  	_ =	shalt  }
0x7b: {  	_ =	shalt  }
0x7c: {  	_ =	shalt  }
0x7d: {  	_ =	shalt  }
0x7e: {  	_ =	shalt  }
0x7f: {  	_ =	shalt  }
0x80: {  	_ =	shalt  }
0x81: {  	_ =	shalt  }
0x82: {  	_ =	shalt  }
0x83: {  	_ =	shalt  }
0x84: {  	_ =	shalt  }
0x85: {  	_ =	shalt  }
0x86: {  	_ =	shalt  }
0x87: {  	_ =	shalt  }
.Lfunc_end0:
.L_simem_size_0:
called_computation_lowered:
.L_overlay_start_0:
0x88: {  	s2 =	sld [smem:$0x3FD9]  }
0x89: {  	s3 =	sld [smem:$0x3FFE];
	_ =	sdelay $0x1  }
0x8a: {  	s1 =	srdreg.scid  }
0x8b: {  	s0 =	sand.u32 $0x1, s1  }
0x8c: {  	s18 =	sshll.u32 s0, $0xA;
	s2 =	sadd.s32 s3, s2  }
0x8d: {  	s2 =	sadd.s32 s2, s18  }
0x8e: {  	[smem:$0x3FC7] =	sst s2  }
0x8f: {  	_ = 	snop  }
0x90: {  	s2 =	sld [smem:$0x3FC9]  }
0x91: {  	s19 =	sld [smem:$0x3FD0];
	(tm) =	ssettm $0x1  }
0x92: {  	s4 =	sld [smem:$0x3FFB];
	_ =	sdelay $0x3  }
0x93: {  	_ =	strace s4  }
0x94: {  	s4 =	sld [smem:$0x3FFC];
	_ =	sdelay $0x3  }
0x95: {  	_ =	strace s4  }
0x96: {  	s4 =	sld [smem:$0x3FFD];
	_ =	sdelay $0x3  }
0x97: {  	_ =	strace s4  }
0x98: {  	_ =	strace $0x8FFFFFFF  }
0x99: {  	s20 =	sld [smem:$0x3FDB];
	_ =	sdelay $0x1  }
0x9a: {  	s5 =	simm.s32 $_scs_section_size  }
0x9b: {  	s6 =	simm.s32 $_size__tile_overlayer_lowered;
	s7 =	simm.s32 $_tile_overlayer_lowered  }
0x9c: {  	s23 =	simm.s32 $0x1BFF;
	s22 =	sshll.u32 s7, $0x1;
	s4 =	sadd.s32 s5, s20  }
0x9d: {  	s8 =	simm.s32 $0x0;
	s21 =	sshll.u32 s6, $0x1;
	s6 =	sadd.s32 s22, s4  }
0x9e: {  	[timem:s8], [sflag:s23] =	dma.local [hbm:s6], s21  }
0x9f: {  	_ =	swait.ge [sflag:s23], s21  }
0xa0: {  	s5 =	ssub.s32 $0x0, s21;
	[sflag:s23] =	ssyncset.done $0x0  }
0xa1: {  	[sflag:s23] =	ssyncadd.s32 s5;
	_ =	sdelay $0x1  }
0xa2: {  	s24 =	simm.s32 $0x1B8B  }
0xa3: {  	_ =	swait.ge [sflag:s24], $0x1  }
0xa4: {  	[sflag:s24] =	ssyncset.done $0x0  }
0xa5: {  	s25 =	simm.s32 $0x1B8E;
	[sflag:s24] =	ssyncadd.s32 $0xFFFFFFFF  }
0xa6: {  	s26 =	simm.s32 $execute0_lowered;
	[smem:$0x3FD2] =	sst s25  }
0xa7: {  	s5 =	sshll.u32 s26, $0x1;
	_ =	strace $0x80000046;
	[dreg:$0x1] =	wrdreg $0xFFFFFFFF  }
0xa8: {  	s28 =	simm.s32 $_size_execute0_lowered;
	s4 =	sadd.s32 s4, s5;
	[dreg:$0x0] =	wrdreg $0x0  }
0xa9: {  	s5 =	sshll.u32 s28, $0x1;
	[dreg:$0x2] =	wrdreg s4  }
0xaa: {  	[dreg:$0x3] =	wrdreg s5  }
0xab: {  	[dreg:$0x4] =	wrdreg $0xC0  }
0xac: {  	_ =	task [dreg:s8], $0x5FFFF  }
0xad: {  	[dreg:$0x1] =	wrdreg $0xFFFFFFFF  }
0xae: {  	[dreg:$0x0] =	wrdreg $0x60  }
0xaf: {  	[dreg:$0x2] =	wrdreg s2  }
0xb0: {  	[dreg:$0x3] =	wrdreg s19  }
0xb1: {  	[dreg:$0x4] =	wrdreg $0x9  }
0xb2: {  	_ =	task.clear_ibuf [dreg:s8], $0x5FFFF;
	_ =	strace $0x90000046  }
0xb3: {  	s29 =	simm.s32 $0x9;
	_ =	strace $0x80000048  }
0xb4: {  	_ =	swait.ge [sflag:s29], $0x1  }
0xb5: {  	[sflag:s29] =	ssyncadd.s32 $0xFFFFFFFF  }
0xb6: {  	_ =	strace $0x90000048  }
0xb7: {  	_ =	sfence  }
0xb8: {  	s30 =	sld [smem:$0x0];
	_ =	sdelay $0x2  }
0xb9: {  	s31 =	sshll.u32 s1, $0xD;
	s1 =	sshrl.u32 s1, $0x2  }
0xba: {  	s3 =	sand.u32 $0x4000, s31;
	s1 =	sadd.s32 s1, s30  }
0xbb: {  	s0 =	sor.u32 s3, s0;
	s1 =	sshll.u32 s1, $0x11  }
0xbc: {  	s0 =	sor.u32 s1, s0  }
0xbd: {  	s0 =	sadd.s32 $0x8F2B, s0  }
0xbe: {  	[sflag:s0] =	ssyncadd.remote.s32 $0x1  }
0xbf: {  	_ =	sfence.sel $0xFFFF  }
0xc0: {  	[dreg:$0x0] =	wrdreg $0xFFFFFFFF;
	(pc) =	sbr.abs _section_cstart, $3  }
0xc1: {  	[dreg:$0x1] =	wrdreg $0xFFFFFFFF  }
0xc2: {  	_ =	task.clear_ibuf [dreg:s8], $0x2FFFF;
	_ =	strace $0x9FFFFFFF  }
0xc3: {  	(tm) =	ssettm $0x7FFFFFFF  }
tec
execute0_lowered:
.L_overlay_start_1:
0x0: {  	(tag) =	ssettag $0x1  }
0x1: {  	s17 =	rddreg [dreg:$0x0]  }
0x2: {  	s19 =	rddreg [dreg:$0x1];
	s2 =	srdreg.scid  }
0x3: {  	s0 =	rddreg [dreg:$0x2];
	s1 =	stileid.u32;
	s25 =	sand.u32 $0x1, s2  }
0x4: {  	s2 =	simm.s32 $0x0;
	s3 =	sshll.u32 s1, $0xF;
	s4 =	sshll.u32 s25, $0xE  }
0x5: {  	[smem:$0x7FF] =	sst s2;
	s18 =	sor.u32 s4, s3  }
0x6: {  	_ =	strace $0x80000047;
	s3 =	sadd.s32 s17, s18;
	s12 =	sor.u32 $0x1800, s18  }
0x7: {  	[tilespmem:s2], [sflag:$0x1] =	stream.linear.gather [hbm4b:s3+s2], $0xC000, $0x38;
	[tilespmem:$0x16000] =	vst v63  }
0x8: {  	s5 =	simm.s32 $0xC000;
	s6 =	simm.s32 $0x1;
	s4 =	sadd.s32 s17, s12  }
0x9: {  	[tilespmem:s5], [sflag:$0x2] =	stream.linear.gather [hbm4b:s4+s2], $0xA000, $0x38;
	[tilespmem:$0x16000] =	vst v63  }
0xa: {  	_ =	swait.ge [sflag:s6], $0xC000  }
0xb: {  	[sflag:s6] =	ssyncset.done $0x0  }
0xc: {  	s7 =	sadd.s32 s19, s18;
	[sflag:s6] =	ssyncadd.s32 $0xFFFF4000  }
0xd: {  	[hbm4b:s7+s2] =	stream.linear.scatter [tilespmem:s2], [sflag:$0x4], $0xC000, $0x38;
	[tilespmem:$0x16000] =	vst v63  }
0xe: {  	s8 =	sadd.s32 $0x80000, s7  }
0xf: {  	[hbm4b:s8+s2] =	stream.linear.scatter [tilespmem:s2], [sflag:$0x4], $0xC000, $0x38;
	[tilespmem:$0x16000] =	vst v63  }
0x10: {  	s9 =	sadd.s32 $0x100000, s7  }
0x11: {  	[hbm4b:s9+s2] =	stream.linear.scatter [tilespmem:s2], [sflag:$0x4], $0xC000, $0x38;
	[tilespmem:$0x16000] =	vst v63  }
0x12: {  	s11 =	simm.s32 $0x2;
	s10 =	sadd.s32 $0x180000, s7  }
0x13: {  	[hbm4b:s10+s2] =	stream.linear.scatter [tilespmem:s2], [sflag:$0x4], $0xC000, $0x38;
	[tilespmem:$0x16000] =	vst v63  }
0x14: {  	_ =	swait.ge [sflag:s11], $0xA000  }
0x15: {  	[sflag:s11] =	ssyncset.done $0x0  }
0x16: {  	s12 =	sadd.s32 s19, s12;
	[sflag:s11] =	ssyncadd.s32 $0xFFFF6000  }
0x17: {  	[hbm4b:s12+s2] =	stream.linear.scatter [tilespmem:s5], [sflag:$0x5], $0xA000, $0x38;
	[tilespmem:$0x16000] =	vst v63  }
0x18: {  	s13 =	sadd.s32 $0x81800, s7  }
0x19: {  	[hbm4b:s13+s2] =	stream.linear.scatter [tilespmem:s5], [sflag:$0x5], $0xA000, $0x38;
	[tilespmem:$0x16000] =	vst v63  }
0x1a: {  	s14 =	sadd.s32 $0x101800, s7  }
0x1b: {  	[hbm4b:s14+s2] =	stream.linear.scatter [tilespmem:s5], [sflag:$0x5], $0xA000, $0x38;
	[tilespmem:$0x16000] =	vst v63  }
0x1c: {  	s16 =	simm.s32 $0x4;
	s15 =	sadd.s32 $0x181800, s7  }
0x1d: {  	[hbm4b:s15+s2] =	stream.linear.scatter [tilespmem:s5], [sflag:$0x5], $0xA000, $0x38;
	[tilespmem:$0x16000] =	vst v63  }
0x1e: {  	_ =	swait.ge [sflag:s16], $0xC000  }
0x1f: {  	[sflag:s16] =	ssyncset.done $0x0  }
0x20: {  	[sflag:s16] =	ssyncadd.s32 $0xFFFF4000  }
0x21: {  	_ =	swait.ge [sflag:s16], $0xC000  }
0x22: {  	[sflag:s16] =	ssyncset.done $0x0  }
0x23: {  	[sflag:s16] =	ssyncadd.s32 $0xFFFF4000  }
0x24: {  	_ =	swait.ge [sflag:s16], $0xC000  }
0x25: {  	[sflag:s16] =	ssyncset.done $0x0  }
0x26: {  	[sflag:s16] =	ssyncadd.s32 $0xFFFF4000  }
0x27: {  	_ =	swait.ge [sflag:s16], $0xC000  }
0x28: {  	s20 =	sor.u32 $0x2C00, s18;
	[sflag:s16] =	ssyncset.done $0x0  }
0x29: {  	s18 =	simm.s32 $0x3;
	s17 =	sadd.s32 s17, s20;
	[sflag:s16] =	ssyncadd.s32 $0xFFFF4000  }
0x2a: {  	[tilespmem:s2], [sflag:$0x3] =	stream.linear.gather [hbm4b:s17+s2], $0xA000, $0x38;
	[tilespmem:$0x16000] =	vst v63  }
0x2b: {  	_ =	swait.ge [sflag:s18], $0xA000  }
0x2c: {  	[sflag:s18] =	ssyncset.done $0x0  }
0x2d: {  	s19 =	sadd.s32 s19, s20;
	[sflag:s18] =	ssyncadd.s32 $0xFFFF6000  }
0x2e: {  	[hbm4b:s19+s2] =	stream.linear.scatter [tilespmem:s2], [sflag:$0x6], $0xA000, $0x38;
	[tilespmem:$0x16000] =	vst v63  }
0x2f: {  	s20 =	sadd.s32 $0x82C00, s7  }
0x30: {  	[hbm4b:s20+s2] =	stream.linear.scatter [tilespmem:s2], [sflag:$0x6], $0xA000, $0x38;
	[tilespmem:$0x16000] =	vst v63  }
0x31: {  	s21 =	sadd.s32 $0x102C00, s7  }
0x32: {  	[hbm4b:s21+s2] =	stream.linear.scatter [tilespmem:s2], [sflag:$0x6], $0xA000, $0x38;
	[tilespmem:$0x16000] =	vst v63  }
0x33: {  	s23 =	simm.s32 $0x5;
	s22 =	sadd.s32 $0x182C00, s7  }
0x34: {  	[hbm4b:s22+s2] =	stream.linear.scatter [tilespmem:s2], [sflag:$0x6], $0xA000, $0x38;
	[tilespmem:$0x16000] =	vst v63  }
0x35: {  	_ =	swait.ge [sflag:s23], $0xA000  }
0x36: {  	[sflag:s23] =	ssyncset.done $0x0  }
0x37: {  	[sflag:s23] =	ssyncadd.s32 $0xFFFF6000  }
0x38: {  	_ =	swait.ge [sflag:s23], $0xA000  }
0x39: {  	[sflag:s23] =	ssyncset.done $0x0  }
0x3a: {  	[sflag:s23] =	ssyncadd.s32 $0xFFFF6000  }
0x3b: {  	_ =	swait.ge [sflag:s23], $0xA000  }
0x3c: {  	[sflag:s23] =	ssyncset.done $0x0  }
0x3d: {  	[sflag:s23] =	ssyncadd.s32 $0xFFFF6000  }
0x3e: {  	_ =	swait.ge [sflag:s23], $0xA000  }
0x3f: {  	[sflag:s23] =	ssyncset.done $0x0  }
0x40: {  	s24 =	simm.s32 $0x6;
	[sflag:s23] =	ssyncadd.s32 $0xFFFF6000  }
0x41: {  	_ =	swait.ge [sflag:s24], $0xA000  }
0x42: {  	s25 =	ssub.s32 $0x2, s25;
	[sflag:s24] =	ssyncset.done $0x0  }
0x43: {  	s26 =	sshrl.u32 s25, $0x1;
	[sflag:s24] =	ssyncadd.s32 $0xFFFF6000  }
0x44: {  	s25 =	ssub.s32 s25, s26;
	_ =	swait.ge [sflag:s24], $0xA000  }
0x45: {  	s25 =	smax.u32 s25, $0x1;
	[sflag:s24] =	ssyncset.done $0x0  }
0x46: {  	p0 =	sne.s32 s25, $0x1;
	[sflag:s24] =	ssyncadd.s32 $0xFFFF6000  }
.Ltmp0:
0x47: {  	_ =	swait.ge [sflag:s24], $0xA000;
	(pc) =	sbr.rel @!p0 .LBB2_2-.Ltmp0, $4  }
0x48: {  	[sflag:s24] =	ssyncset.done $0x0  }
0x49: {  	[sflag:s24] =	ssyncadd.s32 $0xFFFF6000  }
0x4a: {  	_ =	swait.ge [sflag:s24], $0xA000  }
0x4b: {  	s25 =	sadd.s32 $0xFFFFFFFF, s25;
	[sflag:s24] =	ssyncset.done $0x0  }
.LBB2_1:
0x4c: {  	p0 =	sne.s32 s25, $0x1;
	s25 =	sadd.s32 $0xFFFFFFFF, s25;
	[sflag:s24] =	ssyncadd.s32 $0xFFFF6000  }
0x4d: {  	[tilespmem:s2], [sflag:$0x1] =	stream.linear.gather [hbm4b:s3+s2], $0xC000, $0x38;
	[tilespmem:$0x16000] =	vst v63  }
0x4e: {  	_ = 	snop  }
0x4f: {  	[tilespmem:s5], [sflag:$0x2] =	stream.linear.gather [hbm4b:s4+s2], $0xA000, $0x38;
	[tilespmem:$0x16000] =	vst v63  }
0x50: {  	_ =	swait.ge [sflag:s6], $0xC000  }
0x51: {  	[sflag:s6] =	ssyncset.done $0x0  }
0x52: {  	[sflag:s6] =	ssyncadd.s32 $0xFFFF4000  }
0x53: {  	[hbm4b:s7+s2] =	stream.linear.scatter [tilespmem:s2], [sflag:$0x4], $0xC000, $0x38;
	[tilespmem:$0x16000] =	vst v63  }
0x54: {  	_ = 	snop  }
0x55: {  	[hbm4b:s8+s2] =	stream.linear.scatter [tilespmem:s2], [sflag:$0x4], $0xC000, $0x38;
	[tilespmem:$0x16000] =	vst v63  }
0x56: {  	_ = 	snop  }
0x57: {  	[hbm4b:s9+s2] =	stream.linear.scatter [tilespmem:s2], [sflag:$0x4], $0xC000, $0x38;
	[tilespmem:$0x16000] =	vst v63  }
0x58: {  	_ = 	snop  }
0x59: {  	[hbm4b:s10+s2] =	stream.linear.scatter [tilespmem:s2], [sflag:$0x4], $0xC000, $0x38;
	[tilespmem:$0x16000] =	vst v63  }
0x5a: {  	_ =	swait.ge [sflag:s11], $0xA000  }
0x5b: {  	[sflag:s11] =	ssyncset.done $0x0  }
0x5c: {  	[sflag:s11] =	ssyncadd.s32 $0xFFFF6000  }
0x5d: {  	[hbm4b:s12+s2] =	stream.linear.scatter [tilespmem:s5], [sflag:$0x5], $0xA000, $0x38;
	[tilespmem:$0x16000] =	vst v63  }
0x5e: {  	_ = 	snop  }
0x5f: {  	[hbm4b:s13+s2] =	stream.linear.scatter [tilespmem:s5], [sflag:$0x5], $0xA000, $0x38;
	[tilespmem:$0x16000] =	vst v63  }
0x60: {  	_ = 	snop  }
0x61: {  	[hbm4b:s14+s2] =	stream.linear.scatter [tilespmem:s5], [sflag:$0x5], $0xA000, $0x38;
	[tilespmem:$0x16000] =	vst v63  }
0x62: {  	_ = 	snop  }
0x63: {  	[hbm4b:s15+s2] =	stream.linear.scatter [tilespmem:s5], [sflag:$0x5], $0xA000, $0x38;
	[tilespmem:$0x16000] =	vst v63  }
0x64: {  	_ =	swait.ge [sflag:s16], $0xC000  }
0x65: {  	[sflag:s16] =	ssyncset.done $0x0  }
0x66: {  	[sflag:s16] =	ssyncadd.s32 $0xFFFF4000  }
0x67: {  	_ =	swait.ge [sflag:s16], $0xC000  }
0x68: {  	[sflag:s16] =	ssyncset.done $0x0  }
0x69: {  	[sflag:s16] =	ssyncadd.s32 $0xFFFF4000  }
0x6a: {  	_ =	swait.ge [sflag:s16], $0xC000  }
0x6b: {  	[sflag:s16] =	ssyncset.done $0x0  }
0x6c: {  	[sflag:s16] =	ssyncadd.s32 $0xFFFF4000  }
0x6d: {  	_ =	swait.ge [sflag:s16], $0xC000  }
0x6e: {  	[sflag:s16] =	ssyncset.done $0x0  }
0x6f: {  	[sflag:s16] =	ssyncadd.s32 $0xFFFF4000  }
0x70: {  	[tilespmem:s2], [sflag:$0x3] =	stream.linear.gather [hbm4b:s17+s2], $0xA000, $0x38;
	[tilespmem:$0x16000] =	vst v63  }
0x71: {  	_ =	swait.ge [sflag:s18], $0xA000  }
0x72: {  	[sflag:s18] =	ssyncset.done $0x0  }
0x73: {  	[sflag:s18] =	ssyncadd.s32 $0xFFFF6000  }
0x74: {  	[hbm4b:s19+s2] =	stream.linear.scatter [tilespmem:s2], [sflag:$0x6], $0xA000, $0x38;
	[tilespmem:$0x16000] =	vst v63  }
0x75: {  	_ = 	snop  }
0x76: {  	[hbm4b:s20+s2] =	stream.linear.scatter [tilespmem:s2], [sflag:$0x6], $0xA000, $0x38;
	[tilespmem:$0x16000] =	vst v63  }
0x77: {  	_ = 	snop  }
0x78: {  	[hbm4b:s21+s2] =	stream.linear.scatter [tilespmem:s2], [sflag:$0x6], $0xA000, $0x38;
	[tilespmem:$0x16000] =	vst v63  }
0x79: {  	_ = 	snop  }
0x7a: {  	[hbm4b:s22+s2] =	stream.linear.scatter [tilespmem:s2], [sflag:$0x6], $0xA000, $0x38;
	[tilespmem:$0x16000] =	vst v63  }
0x7b: {  	_ =	swait.ge [sflag:s23], $0xA000  }
0x7c: {  	[sflag:s23] =	ssyncset.done $0x0  }
0x7d: {  	[sflag:s23] =	ssyncadd.s32 $0xFFFF6000  }
0x7e: {  	_ =	swait.ge [sflag:s23], $0xA000  }
0x7f: {  	[sflag:s23] =	ssyncset.done $0x0  }
0x80: {  	[sflag:s23] =	ssyncadd.s32 $0xFFFF6000  }
0x81: {  	_ =	swait.ge [sflag:s23], $0xA000  }
0x82: {  	[sflag:s23] =	ssyncset.done $0x0  }
0x83: {  	[sflag:s23] =	ssyncadd.s32 $0xFFFF6000  }
0x84: {  	_ =	swait.ge [sflag:s23], $0xA000  }
0x85: {  	[sflag:s23] =	ssyncset.done $0x0  }
0x86: {  	[sflag:s23] =	ssyncadd.s32 $0xFFFF6000  }
0x87: {  	_ =	swait.ge [sflag:s24], $0xA000  }
0x88: {  	[sflag:s24] =	ssyncset.done $0x0  }
0x89: {  	[sflag:s24] =	ssyncadd.s32 $0xFFFF6000  }
0x8a: {  	_ =	swait.ge [sflag:s24], $0xA000  }
0x8b: {  	[sflag:s24] =	ssyncset.done $0x0  }
0x8c: {  	[sflag:s24] =	ssyncadd.s32 $0xFFFF6000  }
.Ltmp1:
0x8d: {  	_ =	swait.ge [sflag:s24], $0xA000;
	(pc) =	sbr.rel @p0 .LBB2_1-.Ltmp1, $4  }
0x8e: {  	[sflag:s24] =	ssyncset.done $0x0  }
0x8f: {  	[sflag:s24] =	ssyncadd.s32 $0xFFFF6000  }
0x90: {  	_ =	swait.ge [sflag:s24], $0xA000  }
0x91: {  	[sflag:s24] =	ssyncset.done $0x0  }
.LBB2_2:
0x92: {  	[sflag:s24] =	ssyncadd.s32 $0xFFFF6000  }
0x93: {  	_ =	sfence.sel $0x180000  }
0x94: {  	[bflag:$0x0] =	sbarrier.arrive $0xFFFF  }
0x95: {  	p0 =	sne.s32 s1, $0x0;
	_ =	strace $0x90000047  }
0x96: {  	s0 =	sadd.s32 @!p0 $0x100000, s0;
	[bflag:$0x2] =	sbarrier.arrive $0xFFFF  }
0x97: {  	[sflag:s0] =	ssyncadd.tile.s32 @!p0 $0x1;
	_ =	shalt  }
.Lfunc_end2:
_tile_overlayer_lowered:
.L_overlay_start_2:
0x98: {  	(tag) =	ssettag $0x2  }
0x99: {  	s0 =	rddreg [dreg:$0x0];
	s2 =	stileid.u32  }
0x9a: {  	s1 =	rddreg [dreg:$0x1];
	p0 =	sne.s32 s2, $0x0  }
0x9b: {  	s3 =	rddreg [dreg:$0x2];
	[bflag:$0x3] =	sbarrier.arrive $0xFFFF;
	s2 =	simm.s32 @!p0 $0x1C07  }
0x9c: {  	[timem:s3], [sflag:s2] =	dma.local @!p0 [hbm:s0], s1  }
0x9d: {  	s0 =	simm.s32 @!p0 $0x7  }
0x9e: {  	_ =	swait.ge @!p0 [sflag:s0], s1  }
0x9f: {  	s1 =	ssub.s32 @!p0 $0x0, s1;
	[sflag:s0] =	ssyncset.done @!p0 $0x0  }
0xa0: {  	[sflag:s0] =	ssyncadd.s32 @!p0 s1  }
0xa1: {  	[bflag:$0x3] =	sbarrier.arrive $0xFFFF  }
0xa2: {  	_ =	shalt  }

</sc_bundles>
